<compile_context>
chip_gen: v7x
topology: tpu7x:2x2x1
jax: 0.10.2.dev20260603
libtpu: 0.0.44.dev20260713+nightly
codegen_flags: <defaults>
</compile_context>

<pallas_src>
import functools

import jax
import jax.numpy as jnp
from jax import lax
from jax.experimental import pallas as pl
from jax.experimental.pallas import tpu as pltpu
from jax.experimental.pallas import tpu_sc as plsc

DIM = 16
L = 16
NC, NS = 2, 16
NW = NC * NS


def _rsqrt_newton(s):
    i = lax.bitcast_convert_type(s, jnp.int32)
    i = jnp.int32(0x5F3759DF) - lax.shift_right_arithmetic(i, 1)
    y = lax.bitcast_convert_type(i, jnp.float32)
    for _ in range(3):
        y = y * (jnp.float32(1.5) - jnp.float32(0.5) * s * y * y)
    return y


def _make_sc_loss(batch):
    bpw = batch // NW
    nidx = 2 * bpw
    nelem = nidx * DIM
    ngrp = bpw // L
    mesh = plsc.VectorSubcoreMesh(core_axis_name="c", subcore_axis_name="s")

    @functools.partial(
        pl.kernel,
        mesh=mesh,
        out_type=jax.ShapeDtypeStruct((NW, L), jnp.float32),
        scratch_types=[
            pltpu.VMEM((nidx,), jnp.int32),
            pltpu.VMEM((nelem,), jnp.int32),
            pltpu.VMEM((nelem,), jnp.float32),
            pltpu.VMEM((bpw,), jnp.float32),
            pltpu.VMEM((L,), jnp.float32),
            pltpu.SemaphoreType.DMA,
        ],
        compiler_params=pltpu.CompilerParams(needs_layout_passes=False),
    )
    def sc_loss(x_hbm, deg_hbm, emb_hbm, out_hbm, idx_v, idx16_v, elems_v,
                deg_v, acc_v, sem):
        wid = lax.axis_index("s") * NC + lax.axis_index("c")
        base = wid * bpw
        pltpu.sync_copy(x_hbm.at[pl.ds(2 * base, nidx)], idx_v)
        pltpu.sync_copy(deg_hbm.at[pl.ds(base, bpw)], deg_v)

        def expand_body(j, carry):
            idx = idx_v[pl.ds(j * L, L)]
            ebase = lax.shift_left(idx, 4)
            for d in range(DIM):
                idx16_v[pl.ds(d * nidx + j * L, L)] = ebase + d
            return carry

        lax.fori_loop(0, nidx // L, expand_body, jnp.int32(0))

        pltpu.async_copy(emb_hbm.at[idx16_v], elems_v, sem).wait()

        lane = lax.iota(jnp.int32, L)

        def grp_body(g, acc):
            even = 2 * (g * L + lane)
            ssum = jnp.zeros((L,), jnp.float32)
            for d in range(DIM):
                a = plsc.load_gather(elems_v, [d * nidx + even])
                b = plsc.load_gather(elems_v, [d * nidx + even + 1])
                diff = a - b
                ssum = ssum + diff * diff
            ssum = jnp.maximum(ssum, jnp.float32(1e-30))
            dist = ssum * _rsqrt_newton(ssum)
            rate = jnp.exp(-dist)
            deg = deg_v[pl.ds(g * L, L)]
            return acc + deg * dist + rate

        acc = lax.fori_loop(0, ngrp, grp_body, jnp.zeros((L,), jnp.float32))
        acc_v[...] = acc
        pltpu.sync_copy(acc_v, out_hbm.at[wid])

    return sc_loss


@jax.jit
def kernel(x, degrees, embs):
    batch = x.shape[0]
    x_flat = x.astype(jnp.int32).reshape(-1)
    emb_flat = embs.reshape(-1)
    partials = _make_sc_loss(batch)(x_flat, degrees, emb_flat)
    return jnp.sum(partials)

# --- scband reference (transcript-rebuilt; emitter-appended) ---
"""Pipeline reference for scband-word2-vec-kmer-emb-14559939134041 (READ-ONLY COPY).

The authoritative reference and input builder live on the scoring server;
editing this copy changes nothing except your own understanding.
"""

import jax, jax.numpy as jnp
import numpy as np

KMER_NUM = 1000000
DIM = 16
BATCH = 16384

def setup_inputs(seed: int = 0) -> dict:
    key = jax.random.key(seed)
    k1, k2, k3 = jax.random.split(key, 3)
    x = jax.random.randint(k1, (BATCH, 2), 0, KMER_NUM, dtype=jnp.int64) if jax.config.jax_enable_x64 else jax.random.randint(k1, (BATCH, 2), 0, KMER_NUM, dtype=jnp.int32)
    degrees = jax.random.uniform(k2, (BATCH,), dtype=jnp.float32)
    # learned parameter: embedding table, init as 2*rand - 1 per torch module
    embs = 2.0 * jax.random.uniform(k3, (KMER_NUM, DIM), dtype=jnp.float32) - 1.0
    return {"x": x, "degrees": degrees, "embs": embs}

def reference(x, degrees, embs):
    # Faithful translation of Word2VecKMerEmb.__compute_loss
    # dist = ||embs[x[:,0]] - embs[x[:,1]]||_2 per row
    e0 = jnp.take(embs, x[:, 0], axis=0)
    e1 = jnp.take(embs, x[:, 1], axis=0)
    diff = e0 - e1
    dist = jnp.linalg.norm(diff, axis=1)
    rate = jnp.exp(-dist)
    loss = -(degrees * jnp.log(rate) - rate).sum()
    return loss

if False:  # reference __main__ guard neutralized (emitter)
    inp = setup_inputs()
    out = reference(**inp)
    print(out)

if __name__ == "__main__":
    import jax
    _d = setup_inputs()
    print(jax.jit(kernel)(*tuple(_d.values())))

</pallas_src>

<mosaic_0001>
#map = affine_map<(d0, d1) -> (0)>
#map1 = affine_map<(d0, d1) -> (0, 0)>
module attributes {stable_mosaic.version = 14 : i64} {
  func.func @sc_loss(%arg0: i32, %arg1: i32, %arg2: memref<32768xi32, #tpu.memory_space<hbm>>, %arg3: memref<16384xf32, #tpu.memory_space<hbm>>, %arg4: memref<16000000xf32, #tpu.memory_space<hbm>>, %arg5: memref<32x16xf32, #tpu.memory_space<hbm>>, %arg6: memref<1024xi32, #tpu.memory_space<vmem>>, %arg7: memref<16384xi32, #tpu.memory_space<vmem>>, %arg8: memref<16384xf32, #tpu.memory_space<vmem>>, %arg9: memref<512xf32, #tpu.memory_space<vmem>>, %arg10: memref<16xf32, #tpu.memory_space<vmem>>, %arg11: memref<!tpu.dma_semaphore, #tpu.memory_space<semaphore_mem>>) attributes {dimension_semantics = [#tpu.dimension_semantics<core_parallel>, #tpu.dimension_semantics<subcore_parallel>], iteration_bounds = array<i64: 2, 16>, scalar_prefetch = 0 : i64, scratch_operands = 6 : i64, tpu.core_type = #tpu.core_type<sc_vector_subcore>, window_params = [{transform_indices = #map}, {transform_indices = #map}, {transform_indices = #map}, {transform_indices = #map1}]} {
    %mul3A = arith.constant 2 : i32
    %mul3A_0 = arith.muli %arg1, %mul3A : i32
    %add3A = arith.addi %mul3A_0, %arg0 : i32
    %mul3A_1 = arith.constant 512 : i32
    %mul3A_2 = arith.muli %add3A, %mul3A_1 : i32
    %mul3A_3 = arith.constant 2 : i32
    %mul3A_4 = arith.muli %mul3A_3, %mul3A_2 : i32
    "tpu.region"() ({
      %run_scoped3A = tpu.sem_alloc : memref<!tpu.dma_semaphore, #tpu.memory_space<semaphore_mem>>
      %dma_start3A_20 = tpu.memref_slice %arg2[%mul3A_4] : memref<32768xi32, #tpu.memory_space<hbm>> -> memref<1024xi32, #tpu.memory_space<hbm>>
      %dma_start3A_21 = tpu.memref_slice %arg2[%mul3A_4] : memref<32768xi32, #tpu.memory_space<hbm>> -> memref<1024xi32, #tpu.memory_space<hbm>>
      tpu.enqueue_dma source(%dma_start3A_21 : memref<1024xi32, #tpu.memory_space<hbm>>) target(%arg6 : memref<1024xi32, #tpu.memory_space<vmem>>) target_semaphore(%run_scoped3A : memref<!tpu.dma_semaphore, #tpu.memory_space<semaphore_mem>>)
      %dma_wait3A_22 = tpu.memref_slice %arg2[%mul3A_4] : memref<32768xi32, #tpu.memory_space<hbm>> -> memref<1024xi32, #tpu.memory_space<hbm>>
      %dma_wait3A_23 = tpu.memref_slice %arg2[%mul3A_4] : memref<32768xi32, #tpu.memory_space<hbm>> -> memref<1024xi32, #tpu.memory_space<hbm>>
      tpu.wait_dma2 semaphore(%run_scoped3A : memref<!tpu.dma_semaphore, #tpu.memory_space<semaphore_mem>>) src(%dma_wait3A_23 : memref<1024xi32, #tpu.memory_space<hbm>>) dst(%arg6 : memref<1024xi32, #tpu.memory_space<vmem>>)
      tpu.yield
    }) : () -> ()
    "tpu.region"() ({
      %run_scoped3A = tpu.sem_alloc : memref<!tpu.dma_semaphore, #tpu.memory_space<semaphore_mem>>
      %dma_start3A_20 = tpu.memref_slice %arg3[%mul3A_2] : memref<16384xf32, #tpu.memory_space<hbm>> -> memref<512xf32, #tpu.memory_space<hbm>>
      %dma_start3A_21 = tpu.memref_slice %arg3[%mul3A_2] : memref<16384xf32, #tpu.memory_space<hbm>> -> memref<512xf32, #tpu.memory_space<hbm>>
      tpu.enqueue_dma source(%dma_start3A_21 : memref<512xf32, #tpu.memory_space<hbm>>) target(%arg9 : memref<512xf32, #tpu.memory_space<vmem>>) target_semaphore(%run_scoped3A : memref<!tpu.dma_semaphore, #tpu.memory_space<semaphore_mem>>)
      %dma_wait3A_22 = tpu.memref_slice %arg3[%mul3A_2] : memref<16384xf32, #tpu.memory_space<hbm>> -> memref<512xf32, #tpu.memory_space<hbm>>
      %dma_wait3A_23 = tpu.memref_slice %arg3[%mul3A_2] : memref<16384xf32, #tpu.memory_space<hbm>> -> memref<512xf32, #tpu.memory_space<hbm>>
      tpu.wait_dma2 semaphore(%run_scoped3A : memref<!tpu.dma_semaphore, #tpu.memory_space<semaphore_mem>>) src(%dma_wait3A_23 : memref<512xf32, #tpu.memory_space<hbm>>) dst(%arg9 : memref<512xf32, #tpu.memory_space<vmem>>)
      tpu.yield
    }) : () -> ()
    %scan3A = arith.constant 0 : i32
    %scan3A_5 = arith.constant 0 : i32
    %scan3A_6 = arith.constant 64 : i32
    %scan3A_7 = arith.addi %scan3A_5, %scan3A_6 : i32
    %scan3A_8 = arith.constant 1 : i32
    scf.for %scan3A_20 = %scan3A_5 to %scan3A_7 step %scan3A_8  : i32 {
      %mul3A_21 = arith.constant 16 : i32
      %mul3A_22 = arith.muli %scan3A_20, %mul3A_21 : i32
      %get3A = arith.index_cast %mul3A_22 : i32 to index
      %get3A_23 = tpu.vector_load %arg6[%get3A] {strides = array<i32>} : memref<1024xi32, #tpu.memory_space<vmem>>, vector<16xi32>,
      %shift_left3A = arith.constant 4 : i32
      %shift_left3A_24 = vector.broadcast %shift_left3A : i32 to vector<16xi32>
      %shift_left3A_25 = arith.shli %get3A_23, %shift_left3A_24 : vector<16xi32>
      %add3A_26 = arith.constant 0 : i32
      %add3A_27 = vector.broadcast %add3A_26 : i32 to vector<16xi32>
      %add3A_28 = arith.addi %shift_left3A_25, %add3A_27 : vector<16xi32>
      %mul3A_29 = arith.constant 16 : i32
      %mul3A_30 = arith.muli %scan3A_20, %mul3A_29 : i32
      %add3A_31 = arith.constant 0 : i32
      %add3A_32 = arith.addi %add3A_31, %mul3A_30 : i32
      %swap3A_33 = arith.index_cast %add3A_32 : i32 to index
      %swap3A_34 = tpu.vector_load %arg7[%swap3A_33] {strides = array<i32>} : memref<16384xi32, #tpu.memory_space<vmem>>, vector<16xi32>,
      tpu.vector_store %arg7[%swap3A_33], %add3A_28 {strides = array<i32>} : memref<16384xi32, #tpu.memory_space<vmem>>, vector<16xi32>,
      %add3A_35 = arith.constant 1 : i32
      %add3A_36 = vector.broadcast %add3A_35 : i32 to vector<16xi32>
      %add3A_37 = arith.addi %shift_left3A_25, %add3A_36 : vector<16xi32>
      %mul3A_38 = arith.constant 16 : i32
      %mul3A_39 = arith.muli %scan3A_20, %mul3A_38 : i32
      %add3A_40 = arith.constant 1024 : i32
      %add3A_41 = arith.addi %add3A_40, %mul3A_39 : i32
      %swap3A_42 = arith.index_cast %add3A_41 : i32 to index
      %swap3A_43 = tpu.vector_load %arg7[%swap3A_42] {strides = array<i32>} : memref<16384xi32, #tpu.memory_space<vmem>>, vector<16xi32>,
      tpu.vector_store %arg7[%swap3A_42], %add3A_37 {strides = array<i32>} : memref<16384xi32, #tpu.memory_space<vmem>>, vector<16xi32>,
      %add3A_44 = arith.constant 2 : i32
      %add3A_45 = vector.broadcast %add3A_44 : i32 to vector<16xi32>
      %add3A_46 = arith.addi %shift_left3A_25, %add3A_45 : vector<16xi32>
      %mul3A_47 = arith.constant 16 : i32
      %mul3A_48 = arith.muli %scan3A_20, %mul3A_47 : i32
      %add3A_49 = arith.constant 2048 : i32
      %add3A_50 = arith.addi %add3A_49, %mul3A_48 : i32
      %swap3A_51 = arith.index_cast %add3A_50 : i32 to index
      %swap3A_52 = tpu.vector_load %arg7[%swap3A_51] {strides = array<i32>} : memref<16384xi32, #tpu.memory_space<vmem>>, vector<16xi32>,
      tpu.vector_store %arg7[%swap3A_51], %add3A_46 {strides = array<i32>} : memref<16384xi32, #tpu.memory_space<vmem>>, vector<16xi32>,
      %add3A_53 = arith.constant 3 : i32
      %add3A_54 = vector.broadcast %add3A_53 : i32 to vector<16xi32>
      %add3A_55 = arith.addi %shift_left3A_25, %add3A_54 : vector<16xi32>
      %mul3A_56 = arith.constant 16 : i32
      %mul3A_57 = arith.muli %scan3A_20, %mul3A_56 : i32
      %add3A_58 = arith.constant 3072 : i32
      %add3A_59 = arith.addi %add3A_58, %mul3A_57 : i32
      %swap3A_60 = arith.index_cast %add3A_59 : i32 to index
      %swap3A_61 = tpu.vector_load %arg7[%swap3A_60] {strides = array<i32>} : memref<16384xi32, #tpu.memory_space<vmem>>, vector<16xi32>,
      tpu.vector_store %arg7[%swap3A_60], %add3A_55 {strides = array<i32>} : memref<16384xi32, #tpu.memory_space<vmem>>, vector<16xi32>,
      %add3A_62 = arith.constant 4 : i32
      %add3A_63 = vector.broadcast %add3A_62 : i32 to vector<16xi32>
      %add3A_64 = arith.addi %shift_left3A_25, %add3A_63 : vector<16xi32>
      %mul3A_65 = arith.constant 16 : i32
      %mul3A_66 = arith.muli %scan3A_20, %mul3A_65 : i32
      %add3A_67 = arith.constant 4096 : i32
      %add3A_68 = arith.addi %add3A_67, %mul3A_66 : i32
      %swap3A_69 = arith.index_cast %add3A_68 : i32 to index
      %swap3A_70 = tpu.vector_load %arg7[%swap3A_69] {strides = array<i32>} : memref<16384xi32, #tpu.memory_space<vmem>>, vector<16xi32>,
      tpu.vector_store %arg7[%swap3A_69], %add3A_64 {strides = array<i32>} : memref<16384xi32, #tpu.memory_space<vmem>>, vector<16xi32>,
      %add3A_71 = arith.constant 5 : i32
      %add3A_72 = vector.broadcast %add3A_71 : i32 to vector<16xi32>
      %add3A_73 = arith.addi %shift_left3A_25, %add3A_72 : vector<16xi32>
      %mul3A_74 = arith.constant 16 : i32
      %mul3A_75 = arith.muli %scan3A_20, %mul3A_74 : i32
      %add3A_76 = arith.constant 5120 : i32
      %add3A_77 = arith.addi %add3A_76, %mul3A_75 : i32
      %swap3A_78 = arith.index_cast %add3A_77 : i32 to index
      %swap3A_79 = tpu.vector_load %arg7[%swap3A_78] {strides = array<i32>} : memref<16384xi32, #tpu.memory_space<vmem>>, vector<16xi32>,
      tpu.vector_store %arg7[%swap3A_78], %add3A_73 {strides = array<i32>} : memref<16384xi32, #tpu.memory_space<vmem>>, vector<16xi32>,
      %add3A_80 = arith.constant 6 : i32
      %add3A_81 = vector.broadcast %add3A_80 : i32 to vector<16xi32>
      %add3A_82 = arith.addi %shift_left3A_25, %add3A_81 : vector<16xi32>
      %mul3A_83 = arith.constant 16 : i32
      %mul3A_84 = arith.muli %scan3A_20, %mul3A_83 : i32
      %add3A_85 = arith.constant 6144 : i32
      %add3A_86 = arith.addi %add3A_85, %mul3A_84 : i32
      %swap3A_87 = arith.index_cast %add3A_86 : i32 to index
      %swap3A_88 = tpu.vector_load %arg7[%swap3A_87] {strides = array<i32>} : memref<16384xi32, #tpu.memory_space<vmem>>, vector<16xi32>,
      tpu.vector_store %arg7[%swap3A_87], %add3A_82 {strides = array<i32>} : memref<16384xi32, #tpu.memory_space<vmem>>, vector<16xi32>,
      %add3A_89 = arith.constant 7 : i32
      %add3A_90 = vector.broadcast %add3A_89 : i32 to vector<16xi32>
      %add3A_91 = arith.addi %shift_left3A_25, %add3A_90 : vector<16xi32>
      %mul3A_92 = arith.constant 16 : i32
      %mul3A_93 = arith.muli %scan3A_20, %mul3A_92 : i32
      %add3A_94 = arith.constant 7168 : i32
      %add3A_95 = arith.addi %add3A_94, %mul3A_93 : i32
      %swap3A_96 = arith.index_cast %add3A_95 : i32 to index
      %swap3A_97 = tpu.vector_load %arg7[%swap3A_96] {strides = array<i32>} : memref<16384xi32, #tpu.memory_space<vmem>>, vector<16xi32>,
      tpu.vector_store %arg7[%swap3A_96], %add3A_91 {strides = array<i32>} : memref<16384xi32, #tpu.memory_space<vmem>>, vector<16xi32>,
      %add3A_98 = arith.constant 8 : i32
      %add3A_99 = vector.broadcast %add3A_98 : i32 to vector<16xi32>
      %add3A_100 = arith.addi %shift_left3A_25, %add3A_99 : vector<16xi32>
      %mul3A_101 = arith.constant 16 : i32
      %mul3A_102 = arith.muli %scan3A_20, %mul3A_101 : i32
      %add3A_103 = arith.constant 8192 : i32
      %add3A_104 = arith.addi %add3A_103, %mul3A_102 : i32
      %swap3A_105 = arith.index_cast %add3A_104 : i32 to index
      %swap3A_106 = tpu.vector_load %arg7[%swap3A_105] {strides = array<i32>} : memref<16384xi32, #tpu.memory_space<vmem>>, vector<16xi32>,
      tpu.vector_store %arg7[%swap3A_105], %add3A_100 {strides = array<i32>} : memref<16384xi32, #tpu.memory_space<vmem>>, vector<16xi32>,
      %add3A_107 = arith.constant 9 : i32
      %add3A_108 = vector.broadcast %add3A_107 : i32 to vector<16xi32>
      %add3A_109 = arith.addi %shift_left3A_25, %add3A_108 : vector<16xi32>
      %mul3A_110 = arith.constant 16 : i32
      %mul3A_111 = arith.muli %scan3A_20, %mul3A_110 : i32
      %add3A_112 = arith.constant 9216 : i32
      %add3A_113 = arith.addi %add3A_112, %mul3A_111 : i32
      %swap3A_114 = arith.index_cast %add3A_113 : i32 to index
      %swap3A_115 = tpu.vector_load %arg7[%swap3A_114] {strides = array<i32>} : memref<16384xi32, #tpu.memory_space<vmem>>, vector<16xi32>,
      tpu.vector_store %arg7[%swap3A_114], %add3A_109 {strides = array<i32>} : memref<16384xi32, #tpu.memory_space<vmem>>, vector<16xi32>,
      %add3A_116 = arith.constant 10 : i32
      %add3A_117 = vector.broadcast %add3A_116 : i32 to vector<16xi32>
      %add3A_118 = arith.addi %shift_left3A_25, %add3A_117 : vector<16xi32>
      %mul3A_119 = arith.constant 16 : i32
      %mul3A_120 = arith.muli %scan3A_20, %mul3A_119 : i32
      %add3A_121 = arith.constant 10240 : i32
      %add3A_122 = arith.addi %add3A_121, %mul3A_120 : i32
      %swap3A_123 = arith.index_cast %add3A_122 : i32 to index
      %swap3A_124 = tpu.vector_load %arg7[%swap3A_123] {strides = array<i32>} : memref<16384xi32, #tpu.memory_space<vmem>>, vector<16xi32>,
      tpu.vector_store %arg7[%swap3A_123], %add3A_118 {strides = array<i32>} : memref<16384xi32, #tpu.memory_space<vmem>>, vector<16xi32>,
      %add3A_125 = arith.constant 11 : i32
      %add3A_126 = vector.broadcast %add3A_125 : i32 to vector<16xi32>
      %add3A_127 = arith.addi %shift_left3A_25, %add3A_126 : vector<16xi32>
      %mul3A_128 = arith.constant 16 : i32
      %mul3A_129 = arith.muli %scan3A_20, %mul3A_128 : i32
      %add3A_130 = arith.constant 11264 : i32
      %add3A_131 = arith.addi %add3A_130, %mul3A_129 : i32
      %swap3A_132 = arith.index_cast %add3A_131 : i32 to index
      %swap3A_133 = tpu.vector_load %arg7[%swap3A_132] {strides = array<i32>} : memref<16384xi32, #tpu.memory_space<vmem>>, vector<16xi32>,
      tpu.vector_store %arg7[%swap3A_132], %add3A_127 {strides = array<i32>} : memref<16384xi32, #tpu.memory_space<vmem>>, vector<16xi32>,
      %add3A_134 = arith.constant 12 : i32
      %add3A_135 = vector.broadcast %add3A_134 : i32 to vector<16xi32>
      %add3A_136 = arith.addi %shift_left3A_25, %add3A_135 : vector<16xi32>
      %mul3A_137 = arith.constant 16 : i32
      %mul3A_138 = arith.muli %scan3A_20, %mul3A_137 : i32
      %add3A_139 = arith.constant 12288 : i32
      %add3A_140 = arith.addi %add3A_139, %mul3A_138 : i32
      %swap3A_141 = arith.index_cast %add3A_140 : i32 to index
      %swap3A_142 = tpu.vector_load %arg7[%swap3A_141] {strides = array<i32>} : memref<16384xi32, #tpu.memory_space<vmem>>, vector<16xi32>,
      tpu.vector_store %arg7[%swap3A_141], %add3A_136 {strides = array<i32>} : memref<16384xi32, #tpu.memory_space<vmem>>, vector<16xi32>,
      %add3A_143 = arith.constant 13 : i32
      %add3A_144 = vector.broadcast %add3A_143 : i32 to vector<16xi32>
      %add3A_145 = arith.addi %shift_left3A_25, %add3A_144 : vector<16xi32>
      %mul3A_146 = arith.constant 16 : i32
      %mul3A_147 = arith.muli %scan3A_20, %mul3A_146 : i32
      %add3A_148 = arith.constant 13312 : i32
      %add3A_149 = arith.addi %add3A_148, %mul3A_147 : i32
      %swap3A_150 = arith.index_cast %add3A_149 : i32 to index
      %swap3A_151 = tpu.vector_load %arg7[%swap3A_150] {strides = array<i32>} : memref<16384xi32, #tpu.memory_space<vmem>>, vector<16xi32>,
      tpu.vector_store %arg7[%swap3A_150], %add3A_145 {strides = array<i32>} : memref<16384xi32, #tpu.memory_space<vmem>>, vector<16xi32>,
      %add3A_152 = arith.constant 14 : i32
      %add3A_153 = vector.broadcast %add3A_152 : i32 to vector<16xi32>
      %add3A_154 = arith.addi %shift_left3A_25, %add3A_153 : vector<16xi32>
      %mul3A_155 = arith.constant 16 : i32
      %mul3A_156 = arith.muli %scan3A_20, %mul3A_155 : i32
      %add3A_157 = arith.constant 14336 : i32
      %add3A_158 = arith.addi %add3A_157, %mul3A_156 : i32
      %swap3A_159 = arith.index_cast %add3A_158 : i32 to index
      %swap3A_160 = tpu.vector_load %arg7[%swap3A_159] {strides = array<i32>} : memref<16384xi32, #tpu.memory_space<vmem>>, vector<16xi32>,
      tpu.vector_store %arg7[%swap3A_159], %add3A_154 {strides = array<i32>} : memref<16384xi32, #tpu.memory_space<vmem>>, vector<16xi32>,
      %add3A_161 = arith.constant 15 : i32
      %add3A_162 = vector.broadcast %add3A_161 : i32 to vector<16xi32>
      %add3A_163 = arith.addi %shift_left3A_25, %add3A_162 : vector<16xi32>
      %mul3A_164 = arith.constant 16 : i32
      %mul3A_165 = arith.muli %scan3A_20, %mul3A_164 : i32
      %add3A_166 = arith.constant 15360 : i32
      %add3A_167 = arith.addi %add3A_166, %mul3A_165 : i32
      %swap3A_168 = arith.index_cast %add3A_167 : i32 to index
      %swap3A_169 = tpu.vector_load %arg7[%swap3A_168] {strides = array<i32>} : memref<16384xi32, #tpu.memory_space<vmem>>, vector<16xi32>,
      tpu.vector_store %arg7[%swap3A_168], %add3A_163 {strides = array<i32>} : memref<16384xi32, #tpu.memory_space<vmem>>, vector<16xi32>,
    }
    %scan3A_9 = arith.constant 64 : i32
    %dma_start3A = arith.constant 0 : i32
    %dma_start3A_10 = tpu.memref_slice %arg4[%dma_start3A] : memref<16000000xf32, #tpu.memory_space<hbm>> -> memref<16000000xf32, #tpu.memory_space<hbm>>
    tpu.enqueue_indirect_dma source(%dma_start3A_10 : memref<16000000xf32, #tpu.memory_space<hbm>>) target(%arg8 : memref<16384xf32, #tpu.memory_space<vmem>>) offsets(%arg7 : memref<16384xi32, #tpu.memory_space<vmem>>) semaphore(%arg11 : memref<!tpu.dma_semaphore, #tpu.memory_space<semaphore_mem>>)
    %dma_wait3A = arith.constant 0 : i32
    %dma_wait3A_11 = tpu.memref_slice %arg4[%dma_wait3A] : memref<16000000xf32, #tpu.memory_space<hbm>> -> memref<16000000xf32, #tpu.memory_space<hbm>>
    tpu.wait_indirect_dma semaphore(%arg11 : memref<!tpu.dma_semaphore, #tpu.memory_space<semaphore_mem>>) src(%dma_wait3A_11 : memref<16000000xf32, #tpu.memory_space<hbm>>) dst(%arg8 : memref<16384xf32, #tpu.memory_space<vmem>>)
    %iota3A = tpu.iota {dimensions = array<i32: 0>} : vector<16xi32>
    %broadcast_in_dim3A = arith.constant 0.000000e+00 : f32
    %broadcast_in_dim3A_12 = vector.broadcast %broadcast_in_dim3A : f32 to vector<16xf32>
    %scan3A_13 = arith.constant 0 : i32
    %scan3A_14 = arith.constant 32 : i32
    %scan3A_15 = arith.addi %scan3A_13, %scan3A_14 : i32
    %scan3A_16 = arith.constant 1 : i32
    %scan3A_17 = scf.for %scan3A_20 = %scan3A_13 to %scan3A_15 step %scan3A_16 iter_args(%scan3A_21 = %broadcast_in_dim3A_12) -> (vector<16xf32>)  : i32 {
      %mul3A_22 = arith.constant 16 : i32
      %mul3A_23 = arith.muli %scan3A_20, %mul3A_22 : i32
      %add3A_24 = vector.broadcast %mul3A_23 : i32 to vector<16xi32>
      %add3A_25 = arith.addi %add3A_24, %iota3A : vector<16xi32>
      %mul3A_26 = arith.constant 2 : i32
      %mul3A_27 = vector.broadcast %mul3A_26 : i32 to vector<16xi32>
      %mul3A_28 = arith.muli %mul3A_27, %add3A_25 : vector<16xi32>
      %broadcast_in_dim3A_29 = arith.constant 0.000000e+00 : f32
      %broadcast_in_dim3A_30 = vector.broadcast %broadcast_in_dim3A_29 : f32 to vector<16xf32>
      %add3A_31 = arith.constant 0 : i32
      %add3A_32 = vector.broadcast %add3A_31 : i32 to vector<16xi32>
      %add3A_33 = arith.addi %add3A_32, %mul3A_28 : vector<16xi32>
      %gather3A = tpu.vector_load_idx %arg8[%add3A_33] : memref<16384xf32, #tpu.memory_space<vmem>>[vector<16xi32>], vector<16xf32>,
      %add3A_34 = arith.constant 0 : i32
      %add3A_35 = vector.broadcast %add3A_34 : i32 to vector<16xi32>
      %add3A_36 = arith.addi %add3A_35, %mul3A_28 : vector<16xi32>
      %add3A_37 = arith.constant 1 : i32
      %add3A_38 = vector.broadcast %add3A_37 : i32 to vector<16xi32>
      %add3A_39 = arith.addi %add3A_36, %add3A_38 : vector<16xi32>
      %gather3A_40 = tpu.vector_load_idx %arg8[%add3A_39] : memref<16384xf32, #tpu.memory_space<vmem>>[vector<16xi32>], vector<16xf32>,
      %sub3A = arith.subf %gather3A, %gather3A_40 : vector<16xf32>
      %mul3A_41 = arith.mulf %sub3A, %sub3A : vector<16xf32>
      %add3A_42 = arith.addf %broadcast_in_dim3A_30, %mul3A_41 : vector<16xf32>
      %add3A_43 = arith.constant 1024 : i32
      %add3A_44 = vector.broadcast %add3A_43 : i32 to vector<16xi32>
      %add3A_45 = arith.addi %add3A_44, %mul3A_28 : vector<16xi32>
      %gather3A_46 = tpu.vector_load_idx %arg8[%add3A_45] : memref<16384xf32, #tpu.memory_space<vmem>>[vector<16xi32>], vector<16xf32>,
      %add3A_47 = arith.constant 1024 : i32
      %add3A_48 = vector.broadcast %add3A_47 : i32 to vector<16xi32>
      %add3A_49 = arith.addi %add3A_48, %mul3A_28 : vector<16xi32>
      %add3A_50 = arith.constant 1 : i32
      %add3A_51 = vector.broadcast %add3A_50 : i32 to vector<16xi32>
      %add3A_52 = arith.addi %add3A_49, %add3A_51 : vector<16xi32>
      %gather3A_53 = tpu.vector_load_idx %arg8[%add3A_52] : memref<16384xf32, #tpu.memory_space<vmem>>[vector<16xi32>], vector<16xf32>,
      %sub3A_54 = arith.subf %gather3A_46, %gather3A_53 : vector<16xf32>
      %mul3A_55 = arith.mulf %sub3A_54, %sub3A_54 : vector<16xf32>
      %add3A_56 = arith.addf %add3A_42, %mul3A_55 : vector<16xf32>
      %add3A_57 = arith.constant 2048 : i32
      %add3A_58 = vector.broadcast %add3A_57 : i32 to vector<16xi32>
      %add3A_59 = arith.addi %add3A_58, %mul3A_28 : vector<16xi32>
      %gather3A_60 = tpu.vector_load_idx %arg8[%add3A_59] : memref<16384xf32, #tpu.memory_space<vmem>>[vector<16xi32>], vector<16xf32>,
      %add3A_61 = arith.constant 2048 : i32
      %add3A_62 = vector.broadcast %add3A_61 : i32 to vector<16xi32>
      %add3A_63 = arith.addi %add3A_62, %mul3A_28 : vector<16xi32>
      %add3A_64 = arith.constant 1 : i32
      %add3A_65 = vector.broadcast %add3A_64 : i32 to vector<16xi32>
      %add3A_66 = arith.addi %add3A_63, %add3A_65 : vector<16xi32>
      %gather3A_67 = tpu.vector_load_idx %arg8[%add3A_66] : memref<16384xf32, #tpu.memory_space<vmem>>[vector<16xi32>], vector<16xf32>,
      %sub3A_68 = arith.subf %gather3A_60, %gather3A_67 : vector<16xf32>
      %mul3A_69 = arith.mulf %sub3A_68, %sub3A_68 : vector<16xf32>
      %add3A_70 = arith.addf %add3A_56, %mul3A_69 : vector<16xf32>
      %add3A_71 = arith.constant 3072 : i32
      %add3A_72 = vector.broadcast %add3A_71 : i32 to vector<16xi32>
      %add3A_73 = arith.addi %add3A_72, %mul3A_28 : vector<16xi32>
      %gather3A_74 = tpu.vector_load_idx %arg8[%add3A_73] : memref<16384xf32, #tpu.memory_space<vmem>>[vector<16xi32>], vector<16xf32>,
      %add3A_75 = arith.constant 3072 : i32
      %add3A_76 = vector.broadcast %add3A_75 : i32 to vector<16xi32>
      %add3A_77 = arith.addi %add3A_76, %mul3A_28 : vector<16xi32>
      %add3A_78 = arith.constant 1 : i32
      %add3A_79 = vector.broadcast %add3A_78 : i32 to vector<16xi32>
      %add3A_80 = arith.addi %add3A_77, %add3A_79 : vector<16xi32>
      %gather3A_81 = tpu.vector_load_idx %arg8[%add3A_80] : memref<16384xf32, #tpu.memory_space<vmem>>[vector<16xi32>], vector<16xf32>,
      %sub3A_82 = arith.subf %gather3A_74, %gather3A_81 : vector<16xf32>
      %mul3A_83 = arith.mulf %sub3A_82, %sub3A_82 : vector<16xf32>
      %add3A_84 = arith.addf %add3A_70, %mul3A_83 : vector<16xf32>
      %add3A_85 = arith.constant 4096 : i32
      %add3A_86 = vector.broadcast %add3A_85 : i32 to vector<16xi32>
      %add3A_87 = arith.addi %add3A_86, %mul3A_28 : vector<16xi32>
      %gather3A_88 = tpu.vector_load_idx %arg8[%add3A_87] : memref<16384xf32, #tpu.memory_space<vmem>>[vector<16xi32>], vector<16xf32>,
      %add3A_89 = arith.constant 4096 : i32
      %add3A_90 = vector.broadcast %add3A_89 : i32 to vector<16xi32>
      %add3A_91 = arith.addi %add3A_90, %mul3A_28 : vector<16xi32>
      %add3A_92 = arith.constant 1 : i32
      %add3A_93 = vector.broadcast %add3A_92 : i32 to vector<16xi32>
      %add3A_94 = arith.addi %add3A_91, %add3A_93 : vector<16xi32>
      %gather3A_95 = tpu.vector_load_idx %arg8[%add3A_94] : memref<16384xf32, #tpu.memory_space<vmem>>[vector<16xi32>], vector<16xf32>,
      %sub3A_96 = arith.subf %gather3A_88, %gather3A_95 : vector<16xf32>
      %mul3A_97 = arith.mulf %sub3A_96, %sub3A_96 : vector<16xf32>
      %add3A_98 = arith.addf %add3A_84, %mul3A_97 : vector<16xf32>
      %add3A_99 = arith.constant 5120 : i32
      %add3A_100 = vector.broadcast %add3A_99 : i32 to vector<16xi32>
      %add3A_101 = arith.addi %add3A_100, %mul3A_28 : vector<16xi32>
      %gather3A_102 = tpu.vector_load_idx %arg8[%add3A_101] : memref<16384xf32, #tpu.memory_space<vmem>>[vector<16xi32>], vector<16xf32>,
      %add3A_103 = arith.constant 5120 : i32
      %add3A_104 = vector.broadcast %add3A_103 : i32 to vector<16xi32>
      %add3A_105 = arith.addi %add3A_104, %mul3A_28 : vector<16xi32>
      %add3A_106 = arith.constant 1 : i32
      %add3A_107 = vector.broadcast %add3A_106 : i32 to vector<16xi32>
      %add3A_108 = arith.addi %add3A_105, %add3A_107 : vector<16xi32>
      %gather3A_109 = tpu.vector_load_idx %arg8[%add3A_108] : memref<16384xf32, #tpu.memory_space<vmem>>[vector<16xi32>], vector<16xf32>,
      %sub3A_110 = arith.subf %gather3A_102, %gather3A_109 : vector<16xf32>
      %mul3A_111 = arith.mulf %sub3A_110, %sub3A_110 : vector<16xf32>
      %add3A_112 = arith.addf %add3A_98, %mul3A_111 : vector<16xf32>
      %add3A_113 = arith.constant 6144 : i32
      %add3A_114 = vector.broadcast %add3A_113 : i32 to vector<16xi32>
      %add3A_115 = arith.addi %add3A_114, %mul3A_28 : vector<16xi32>
      %gather3A_116 = tpu.vector_load_idx %arg8[%add3A_115] : memref<16384xf32, #tpu.memory_space<vmem>>[vector<16xi32>], vector<16xf32>,
      %add3A_117 = arith.constant 6144 : i32
      %add3A_118 = vector.broadcast %add3A_117 : i32 to vector<16xi32>
      %add3A_119 = arith.addi %add3A_118, %mul3A_28 : vector<16xi32>
      %add3A_120 = arith.constant 1 : i32
      %add3A_121 = vector.broadcast %add3A_120 : i32 to vector<16xi32>
      %add3A_122 = arith.addi %add3A_119, %add3A_121 : vector<16xi32>
      %gather3A_123 = tpu.vector_load_idx %arg8[%add3A_122] : memref<16384xf32, #tpu.memory_space<vmem>>[vector<16xi32>], vector<16xf32>,
      %sub3A_124 = arith.subf %gather3A_116, %gather3A_123 : vector<16xf32>
      %mul3A_125 = arith.mulf %sub3A_124, %sub3A_124 : vector<16xf32>
      %add3A_126 = arith.addf %add3A_112, %mul3A_125 : vector<16xf32>
      %add3A_127 = arith.constant 7168 : i32
      %add3A_128 = vector.broadcast %add3A_127 : i32 to vector<16xi32>
      %add3A_129 = arith.addi %add3A_128, %mul3A_28 : vector<16xi32>
      %gather3A_130 = tpu.vector_load_idx %arg8[%add3A_129] : memref<16384xf32, #tpu.memory_space<vmem>>[vector<16xi32>], vector<16xf32>,
      %add3A_131 = arith.constant 7168 : i32
      %add3A_132 = vector.broadcast %add3A_131 : i32 to vector<16xi32>
      %add3A_133 = arith.addi %add3A_132, %mul3A_28 : vector<16xi32>
      %add3A_134 = arith.constant 1 : i32
      %add3A_135 = vector.broadcast %add3A_134 : i32 to vector<16xi32>
      %add3A_136 = arith.addi %add3A_133, %add3A_135 : vector<16xi32>
      %gather3A_137 = tpu.vector_load_idx %arg8[%add3A_136] : memref<16384xf32, #tpu.memory_space<vmem>>[vector<16xi32>], vector<16xf32>,
      %sub3A_138 = arith.subf %gather3A_130, %gather3A_137 : vector<16xf32>
      %mul3A_139 = arith.mulf %sub3A_138, %sub3A_138 : vector<16xf32>
      %add3A_140 = arith.addf %add3A_126, %mul3A_139 : vector<16xf32>
      %add3A_141 = arith.constant 8192 : i32
      %add3A_142 = vector.broadcast %add3A_141 : i32 to vector<16xi32>
      %add3A_143 = arith.addi %add3A_142, %mul3A_28 : vector<16xi32>
      %gather3A_144 = tpu.vector_load_idx %arg8[%add3A_143] : memref<16384xf32, #tpu.memory_space<vmem>>[vector<16xi32>], vector<16xf32>,
      %add3A_145 = arith.constant 8192 : i32
      %add3A_146 = vector.broadcast %add3A_145 : i32 to vector<16xi32>
      %add3A_147 = arith.addi %add3A_146, %mul3A_28 : vector<16xi32>
      %add3A_148 = arith.constant 1 : i32
      %add3A_149 = vector.broadcast %add3A_148 : i32 to vector<16xi32>
      %add3A_150 = arith.addi %add3A_147, %add3A_149 : vector<16xi32>
      %gather3A_151 = tpu.vector_load_idx %arg8[%add3A_150] : memref<16384xf32, #tpu.memory_space<vmem>>[vector<16xi32>], vector<16xf32>,
      %sub3A_152 = arith.subf %gather3A_144, %gather3A_151 : vector<16xf32>
      %mul3A_153 = arith.mulf %sub3A_152, %sub3A_152 : vector<16xf32>
      %add3A_154 = arith.addf %add3A_140, %mul3A_153 : vector<16xf32>
      %add3A_155 = arith.constant 9216 : i32
      %add3A_156 = vector.broadcast %add3A_155 : i32 to vector<16xi32>
      %add3A_157 = arith.addi %add3A_156, %mul3A_28 : vector<16xi32>
      %gather3A_158 = tpu.vector_load_idx %arg8[%add3A_157] : memref<16384xf32, #tpu.memory_space<vmem>>[vector<16xi32>], vector<16xf32>,
      %add3A_159 = arith.constant 9216 : i32
      %add3A_160 = vector.broadcast %add3A_159 : i32 to vector<16xi32>
      %add3A_161 = arith.addi %add3A_160, %mul3A_28 : vector<16xi32>
      %add3A_162 = arith.constant 1 : i32
      %add3A_163 = vector.broadcast %add3A_162 : i32 to vector<16xi32>
      %add3A_164 = arith.addi %add3A_161, %add3A_163 : vector<16xi32>
      %gather3A_165 = tpu.vector_load_idx %arg8[%add3A_164] : memref<16384xf32, #tpu.memory_space<vmem>>[vector<16xi32>], vector<16xf32>,
      %sub3A_166 = arith.subf %gather3A_158, %gather3A_165 : vector<16xf32>
      %mul3A_167 = arith.mulf %sub3A_166, %sub3A_166 : vector<16xf32>
      %add3A_168 = arith.addf %add3A_154, %mul3A_167 : vector<16xf32>
      %add3A_169 = arith.constant 10240 : i32
      %add3A_170 = vector.broadcast %add3A_169 : i32 to vector<16xi32>
      %add3A_171 = arith.addi %add3A_170, %mul3A_28 : vector<16xi32>
      %gather3A_172 = tpu.vector_load_idx %arg8[%add3A_171] : memref<16384xf32, #tpu.memory_space<vmem>>[vector<16xi32>], vector<16xf32>,
      %add3A_173 = arith.constant 10240 : i32
      %add3A_174 = vector.broadcast %add3A_173 : i32 to vector<16xi32>
      %add3A_175 = arith.addi %add3A_174, %mul3A_28 : vector<16xi32>
      %add3A_176 = arith.constant 1 : i32
      %add3A_177 = vector.broadcast %add3A_176 : i32 to vector<16xi32>
      %add3A_178 = arith.addi %add3A_175, %add3A_177 : vector<16xi32>
      %gather3A_179 = tpu.vector_load_idx %arg8[%add3A_178] : memref<16384xf32, #tpu.memory_space<vmem>>[vector<16xi32>], vector<16xf32>,
      %sub3A_180 = arith.subf %gather3A_172, %gather3A_179 : vector<16xf32>
      %mul3A_181 = arith.mulf %sub3A_180, %sub3A_180 : vector<16xf32>
      %add3A_182 = arith.addf %add3A_168, %mul3A_181 : vector<16xf32>
      %add3A_183 = arith.constant 11264 : i32
      %add3A_184 = vector.broadcast %add3A_183 : i32 to vector<16xi32>
      %add3A_185 = arith.addi %add3A_184, %mul3A_28 : vector<16xi32>
      %gather3A_186 = tpu.vector_load_idx %arg8[%add3A_185] : memref<16384xf32, #tpu.memory_space<vmem>>[vector<16xi32>], vector<16xf32>,
      %add3A_187 = arith.constant 11264 : i32
      %add3A_188 = vector.broadcast %add3A_187 : i32 to vector<16xi32>
      %add3A_189 = arith.addi %add3A_188, %mul3A_28 : vector<16xi32>
      %add3A_190 = arith.constant 1 : i32
      %add3A_191 = vector.broadcast %add3A_190 : i32 to vector<16xi32>
      %add3A_192 = arith.addi %add3A_189, %add3A_191 : vector<16xi32>
      %gather3A_193 = tpu.vector_load_idx %arg8[%add3A_192] : memref<16384xf32, #tpu.memory_space<vmem>>[vector<16xi32>], vector<16xf32>,
      %sub3A_194 = arith.subf %gather3A_186, %gather3A_193 : vector<16xf32>
      %mul3A_195 = arith.mulf %sub3A_194, %sub3A_194 : vector<16xf32>
      %add3A_196 = arith.addf %add3A_182, %mul3A_195 : vector<16xf32>
      %add3A_197 = arith.constant 12288 : i32
      %add3A_198 = vector.broadcast %add3A_197 : i32 to vector<16xi32>
      %add3A_199 = arith.addi %add3A_198, %mul3A_28 : vector<16xi32>
      %gather3A_200 = tpu.vector_load_idx %arg8[%add3A_199] : memref<16384xf32, #tpu.memory_space<vmem>>[vector<16xi32>], vector<16xf32>,
      %add3A_201 = arith.constant 12288 : i32
      %add3A_202 = vector.broadcast %add3A_201 : i32 to vector<16xi32>
      %add3A_203 = arith.addi %add3A_202, %mul3A_28 : vector<16xi32>
      %add3A_204 = arith.constant 1 : i32
      %add3A_205 = vector.broadcast %add3A_204 : i32 to vector<16xi32>
      %add3A_206 = arith.addi %add3A_203, %add3A_205 : vector<16xi32>
      %gather3A_207 = tpu.vector_load_idx %arg8[%add3A_206] : memref<16384xf32, #tpu.memory_space<vmem>>[vector<16xi32>], vector<16xf32>,
      %sub3A_208 = arith.subf %gather3A_200, %gather3A_207 : vector<16xf32>
      %mul3A_209 = arith.mulf %sub3A_208, %sub3A_208 : vector<16xf32>
      %add3A_210 = arith.addf %add3A_196, %mul3A_209 : vector<16xf32>
      %add3A_211 = arith.constant 13312 : i32
      %add3A_212 = vector.broadcast %add3A_211 : i32 to vector<16xi32>
      %add3A_213 = arith.addi %add3A_212, %mul3A_28 : vector<16xi32>
      %gather3A_214 = tpu.vector_load_idx %arg8[%add3A_213] : memref<16384xf32, #tpu.memory_space<vmem>>[vector<16xi32>], vector<16xf32>,
      %add3A_215 = arith.constant 13312 : i32
      %add3A_216 = vector.broadcast %add3A_215 : i32 to vector<16xi32>
      %add3A_217 = arith.addi %add3A_216, %mul3A_28 : vector<16xi32>
      %add3A_218 = arith.constant 1 : i32
      %add3A_219 = vector.broadcast %add3A_218 : i32 to vector<16xi32>
      %add3A_220 = arith.addi %add3A_217, %add3A_219 : vector<16xi32>
      %gather3A_221 = tpu.vector_load_idx %arg8[%add3A_220] : memref<16384xf32, #tpu.memory_space<vmem>>[vector<16xi32>], vector<16xf32>,
      %sub3A_222 = arith.subf %gather3A_214, %gather3A_221 : vector<16xf32>
      %mul3A_223 = arith.mulf %sub3A_222, %sub3A_222 : vector<16xf32>
      %add3A_224 = arith.addf %add3A_210, %mul3A_223 : vector<16xf32>
      %add3A_225 = arith.constant 14336 : i32
      %add3A_226 = vector.broadcast %add3A_225 : i32 to vector<16xi32>
      %add3A_227 = arith.addi %add3A_226, %mul3A_28 : vector<16xi32>
      %gather3A_228 = tpu.vector_load_idx %arg8[%add3A_227] : memref<16384xf32, #tpu.memory_space<vmem>>[vector<16xi32>], vector<16xf32>,
      %add3A_229 = arith.constant 14336 : i32
      %add3A_230 = vector.broadcast %add3A_229 : i32 to vector<16xi32>
      %add3A_231 = arith.addi %add3A_230, %mul3A_28 : vector<16xi32>
      %add3A_232 = arith.constant 1 : i32
      %add3A_233 = vector.broadcast %add3A_232 : i32 to vector<16xi32>
      %add3A_234 = arith.addi %add3A_231, %add3A_233 : vector<16xi32>
      %gather3A_235 = tpu.vector_load_idx %arg8[%add3A_234] : memref<16384xf32, #tpu.memory_space<vmem>>[vector<16xi32>], vector<16xf32>,
      %sub3A_236 = arith.subf %gather3A_228, %gather3A_235 : vector<16xf32>
      %mul3A_237 = arith.mulf %sub3A_236, %sub3A_236 : vector<16xf32>
      %add3A_238 = arith.addf %add3A_224, %mul3A_237 : vector<16xf32>
      %add3A_239 = arith.constant 15360 : i32
      %add3A_240 = vector.broadcast %add3A_239 : i32 to vector<16xi32>
      %add3A_241 = arith.addi %add3A_240, %mul3A_28 : vector<16xi32>
      %gather3A_242 = tpu.vector_load_idx %arg8[%add3A_241] : memref<16384xf32, #tpu.memory_space<vmem>>[vector<16xi32>], vector<16xf32>,
      %add3A_243 = arith.constant 15360 : i32
      %add3A_244 = vector.broadcast %add3A_243 : i32 to vector<16xi32>
      %add3A_245 = arith.addi %add3A_244, %mul3A_28 : vector<16xi32>
      %add3A_246 = arith.constant 1 : i32
      %add3A_247 = vector.broadcast %add3A_246 : i32 to vector<16xi32>
      %add3A_248 = arith.addi %add3A_245, %add3A_247 : vector<16xi32>
      %gather3A_249 = tpu.vector_load_idx %arg8[%add3A_248] : memref<16384xf32, #tpu.memory_space<vmem>>[vector<16xi32>], vector<16xf32>,
      %sub3A_250 = arith.subf %gather3A_242, %gather3A_249 : vector<16xf32>
      %mul3A_251 = arith.mulf %sub3A_250, %sub3A_250 : vector<16xf32>
      %add3A_252 = arith.addf %add3A_238, %mul3A_251 : vector<16xf32>
      %max3A = arith.constant 1.000000e-30 : f32
      %max3A_253 = vector.broadcast %max3A : f32 to vector<16xf32>
      %max3A_254 = arith.maximumf %add3A_252, %max3A_253 : vector<16xf32>
      %bitcast_convert_type3A = tpu.bitcast %max3A_254 : vector<16xf32> -> vector<16xi32>
      %shift_right_arithmetic3A = arith.constant 1 : i32
      %shift_right_arithmetic3A_255 = vector.broadcast %shift_right_arithmetic3A : i32 to vector<16xi32>
      %shift_right_arithmetic3A_256 = arith.shrsi %bitcast_convert_type3A, %shift_right_arithmetic3A_255 : vector<16xi32>
      %sub3A_257 = arith.constant 1597463007 : i32
      %sub3A_258 = vector.broadcast %sub3A_257 : i32 to vector<16xi32>
      %sub3A_259 = arith.subi %sub3A_258, %shift_right_arithmetic3A_256 : vector<16xi32>
      %bitcast_convert_type3A_260 = tpu.bitcast %sub3A_259 : vector<16xi32> -> vector<16xf32>
      %mul3A_261 = arith.constant 5.000000e-01 : f32
      %mul3A_262 = vector.broadcast %mul3A_261 : f32 to vector<16xf32>
      %mul3A_263 = arith.mulf %mul3A_262, %max3A_254 : vector<16xf32>
      %mul3A_264 = arith.mulf %mul3A_263, %bitcast_convert_type3A_260 : vector<16xf32>
      %mul3A_265 = arith.mulf %mul3A_264, %bitcast_convert_type3A_260 : vector<16xf32>
      %sub3A_266 = arith.constant 1.500000e+00 : f32
      %sub3A_267 = vector.broadcast %sub3A_266 : f32 to vector<16xf32>
      %sub3A_268 = arith.subf %sub3A_267, %mul3A_265 : vector<16xf32>
      %mul3A_269 = arith.mulf %bitcast_convert_type3A_260, %sub3A_268 : vector<16xf32>
      %mul3A_270 = arith.constant 5.000000e-01 : f32
      %mul3A_271 = vector.broadcast %mul3A_270 : f32 to vector<16xf32>
      %mul3A_272 = arith.mulf %mul3A_271, %max3A_254 : vector<16xf32>
      %mul3A_273 = arith.mulf %mul3A_272, %mul3A_269 : vector<16xf32>
      %mul3A_274 = arith.mulf %mul3A_273, %mul3A_269 : vector<16xf32>
      %sub3A_275 = arith.constant 1.500000e+00 : f32
      %sub3A_276 = vector.broadcast %sub3A_275 : f32 to vector<16xf32>
      %sub3A_277 = arith.subf %sub3A_276, %mul3A_274 : vector<16xf32>
      %mul3A_278 = arith.mulf %mul3A_269, %sub3A_277 : vector<16xf32>
      %mul3A_279 = arith.constant 5.000000e-01 : f32
      %mul3A_280 = vector.broadcast %mul3A_279 : f32 to vector<16xf32>
      %mul3A_281 = arith.mulf %mul3A_280, %max3A_254 : vector<16xf32>
      %mul3A_282 = arith.mulf %mul3A_281, %mul3A_278 : vector<16xf32>
      %mul3A_283 = arith.mulf %mul3A_282, %mul3A_278 : vector<16xf32>
      %sub3A_284 = arith.constant 1.500000e+00 : f32
      %sub3A_285 = vector.broadcast %sub3A_284 : f32 to vector<16xf32>
      %sub3A_286 = arith.subf %sub3A_285, %mul3A_283 : vector<16xf32>
      %mul3A_287 = arith.mulf %mul3A_278, %sub3A_286 : vector<16xf32>
      %mul3A_288 = arith.mulf %max3A_254, %mul3A_287 : vector<16xf32>
      %neg3A = arith.constant 0.000000e+00 : f32
      %neg3A_289 = vector.broadcast %neg3A : f32 to vector<16xf32>
      %neg3A_290 = arith.subf %neg3A_289, %mul3A_288 : vector<16xf32>
      %exp3A = math.exp %neg3A_290 : vector<16xf32>
      %mul3A_291 = arith.constant 16 : i32
      %mul3A_292 = arith.muli %scan3A_20, %mul3A_291 : i32
      %get3A = arith.index_cast %mul3A_292 : i32 to index
      %get3A_293 = tpu.vector_load %arg9[%get3A] {strides = array<i32>} : memref<512xf32, #tpu.memory_space<vmem>>, vector<16xf32>,
      %mul3A_294 = arith.mulf %get3A_293, %mul3A_288 : vector<16xf32>
      %add3A_295 = arith.addf %scan3A_21, %mul3A_294 : vector<16xf32>
      %add3A_296 = arith.addf %add3A_295, %exp3A : vector<16xf32>
      scf.yield %add3A_296 : vector<16xf32>
    }
    %scan3A_18 = arith.constant 32 : i32
    %swap3A = arith.constant 0 : index
    %swap3A_19 = tpu.vector_load %arg10[%swap3A] {strides = array<i32>} : memref<16xf32, #tpu.memory_space<vmem>>, vector<16xf32>,
    tpu.vector_store %arg10[%swap3A], %scan3A_17 {strides = array<i32>} : memref<16xf32, #tpu.memory_space<vmem>>, vector<16xf32>,
    "tpu.region"() ({
      %run_scoped3A = tpu.sem_alloc : memref<!tpu.dma_semaphore, #tpu.memory_space<semaphore_mem>>
      %dma_start3A_20 = arith.constant 0 : i32
      %dma_start3A_21 = tpu.memref_slice %arg5[%add3A, %dma_start3A_20] : memref<32x16xf32, #tpu.memory_space<hbm>> -> memref<1x16xf32, #tpu.memory_space<hbm>>
      %dma_start3A_22 = tpu.memref_squeeze %dma_start3A_21 : memref<1x16xf32, #tpu.memory_space<hbm>> -> memref<16xf32, #tpu.memory_space<hbm>>
      %dma_start3A_23 = arith.constant 0 : i32
      %dma_start3A_24 = tpu.memref_slice %arg5[%add3A, %dma_start3A_23] : memref<32x16xf32, #tpu.memory_space<hbm>> -> memref<1x16xf32, #tpu.memory_space<hbm>>
      %dma_start3A_25 = tpu.memref_squeeze %dma_start3A_24 : memref<1x16xf32, #tpu.memory_space<hbm>> -> memref<16xf32, #tpu.memory_space<hbm>>
      tpu.enqueue_dma source(%arg10 : memref<16xf32, #tpu.memory_space<vmem>>) target(%dma_start3A_25 : memref<16xf32, #tpu.memory_space<hbm>>) target_semaphore(%run_scoped3A : memref<!tpu.dma_semaphore, #tpu.memory_space<semaphore_mem>>)
      %dma_wait3A_26 = arith.constant 0 : i32
      %dma_wait3A_27 = tpu.memref_slice %arg5[%add3A, %dma_wait3A_26] : memref<32x16xf32, #tpu.memory_space<hbm>> -> memref<1x16xf32, #tpu.memory_space<hbm>>
      %dma_wait3A_28 = tpu.memref_squeeze %dma_wait3A_27 : memref<1x16xf32, #tpu.memory_space<hbm>> -> memref<16xf32, #tpu.memory_space<hbm>>
      %dma_wait3A_29 = arith.constant 0 : i32
      %dma_wait3A_30 = tpu.memref_slice %arg5[%add3A, %dma_wait3A_29] : memref<32x16xf32, #tpu.memory_space<hbm>> -> memref<1x16xf32, #tpu.memory_space<hbm>>
      %dma_wait3A_31 = tpu.memref_squeeze %dma_wait3A_30 : memref<1x16xf32, #tpu.memory_space<hbm>> -> memref<16xf32, #tpu.memory_space<hbm>>
      tpu.wait_dma2 semaphore(%run_scoped3A : memref<!tpu.dma_semaphore, #tpu.memory_space<semaphore_mem>>) src(%arg10 : memref<16xf32, #tpu.memory_space<vmem>>) dst(%dma_wait3A_31 : memref<16xf32, #tpu.memory_space<hbm>>)
      tpu.yield
    }) : () -> ()
    return
  }
}

</mosaic_0001>

<sc_bundles>
// kernel: kernel.3.cloned.1.call-start
scs
__scs_entry_jumppad:
0x0: {  	(pc) =	sbr.rel $0x88, $3  }
0x1: {  	(tag) =	ssettag $0x0;
	lr =	simm.s32 $0x1  }
0x2: {  	[smem:$0x3F9E] =	sst lr;
	_ =	strace $0xD0000000  }
0x3: {  	_ = 	snop  }
0x4: {  	_ = 	snop  }
0x5: {  	_ = 	snop  }
0x6: {  	_ = 	snop  }
0x7: {  	_ = 	snop  }
__scs_overlays_trampoline_lowered:
0x8: {  	[smem:$0x3FAD] =	sst s0  }
0x9: {  	[smem:$0x3FAE] =	sst s1  }
0xa: {  	[smem:$0x3FAF] =	sst s2  }
0xb: {  	[smem:$0x3FB0] =	sst s3  }
0xc: {  	[smem:$0x3FB1] =	sst s4  }
0xd: {  	[smem:$0x3FB2] =	sst s5  }
0xe: {  	[smem:$0x3FB3] =	sst s6  }
0xf: {  	[smem:$0x3FB4] =	sst s7  }
0x10: {  	[smem:$0x3FB5] =	sst s8  }
0x11: {  	[smem:$0x3FB6] =	sst s9;
	s0 =	simm.s32 @!p0 $0x0  }
0x12: {  	s1 =	sld [smem:$0x3F9C];
	s0 =	simm.s32 @p0 $0x1  }
0x13: {  	[smem:$0x3FB7] =	sst s0;
	s0 =	simm.s32 @!p1 $0x0  }
0x14: {  	s2 =	sld [smem:$0x3F9B];
	s0 =	simm.s32 @p1 $0x1  }
0x15: {  	[smem:$0x3FB8] =	sst s0;
	s0 =	simm.s32 @!p2 $0x0  }
0x16: {  	s3 =	sld [smem:$0x3FDB];
	s0 =	simm.s32 @p2 $0x1  }
0x17: {  	s4 =	simm.s32 $0x1BF5;
	[smem:$0x3FBA] =	sst s0  }
0x18: {  	s0 =	sld [smem:$0x3F9D];
	_ =	swait.ge [sflag:s4], $0x0  }
0x19: {  	s7 =	sld [smem:$0x3F9E]  }
0x1a: {  	s8 =	sadd.s32 $0xFFFFE003, lr  }
0x1b: {  	s9 =	sadd.s32 $0xFFFFFEF7, lr;
	s5 =	simm.s32 $0xFFFFFFFF;
	p2 =	slt.u32 s8, $0xFFFFF086  }
0x1c: {  	p1 =	slt.u32 s9, $0xF7A;
	s5 =	simm.s32 @!p2 $0x0  }
0x1d: {  	s5 =	simm.s32 @p1 $0x1;
	p0 =	seq.s32 s7, s2  }
0x1e: {  	s7 =	smul.u32 @!p0 $0xF7A, s2;
	p2 =	seq.s32 @!p0 s5, $0x0  }
0x1f: {  	s9 =	smul.u32 $0xF7A, s1;
	s8 =	simm.s32 @!p0 $0x1BF5;
	p2 =	por !p2, p0  }
0x20: {  	[sflag:s8] =	ssyncset.s32 @!p0 $0xFFFFF086;
	s6 =	sadd.s32 @!p0 s3, s7;
	s7 =	simm.s32 @!p0 $0x108  }
0x21: {  	s3 =	sadd.s32 s3, s9;
	s6 =	sadd.s32 @!p0 $0x88, s6;
	s7 =	simm.s32 @p2 $0x1082  }
0x22: {  	[simem:s7], [sflag:s8] =	dma.local @!p0 [hbm:s6], $0xF7A  }
0x23: {  	s9 =	sor.u32 $0xD0000000, s2;
	s6 =	simm.s32 $0x108;
	_ =	swait.ge @!p0 [sflag:s8], $0x0  }
0x24: {  	s3 =	sadd.s32 $0x88, s3;
	s6 =	simm.s32 @!p1 $0x1082;
	[sflag:s4] =	ssyncset.s32 $0xFFFFF086  }
0x25: {  	[simem:s6], [sflag:s4] =	dma.local [hbm:s3], $0xF7A  }
0x26: {  	[smem:$0x3F9E] =	sst s1;
	(tag) =	ssettag s2;
	_ =	strace s9  }
0x27: {  	s1 =	sld [smem:$0x3FAE]  }
0x28: {  	s2 =	sld [smem:$0x3FAF]  }
0x29: {  	s4 =	sld [smem:$0x3FB1]  }
0x2a: {  	p0 =	seq.s32 s5, $0x0;
	s5 =	sld [smem:$0x3FB2]  }
0x2b: {  	s6 =	sld [smem:$0x3FB3]  }
0x2c: {  	s7 =	sld [smem:$0x3FB4]  }
0x2d: {  	s3 =	simm.s32 $0x108;
	s8 =	sld [smem:$0x3FB5]  }
0x2e: {  	s3 =	simm.s32 @!p0 $0x1082;
	s9 =	sld [smem:$0x3FB6]  }
0x2f: {  	lr =	sadd.s32 s0, s3;
	s0 =	sld [smem:$0x3FAD]  }
0x30: {  	s3 =	sld [smem:$0x3FB0]  }
0x31: {  	[smem:$0x3FB9] =	sst s10  }
0x32: {  	s10 =	sld [smem:$0x3FB7];
	_ =	sdelay $0x3  }
0x33: {  	p0 =	seq.s32 s10, $0x1;
	s10 =	sld [smem:$0x3FB9];
	_ =	sdelay $0x3  }
0x34: {  	[smem:$0x3FB9] =	sst s10  }
0x35: {  	s10 =	sld [smem:$0x3FB8];
	_ =	sdelay $0x3  }
0x36: {  	p1 =	seq.s32 s10, $0x1;
	s10 =	sld [smem:$0x3FB9];
	_ =	sdelay $0x3  }
0x37: {  	[smem:$0x3FB9] =	sst s10  }
0x38: {  	s10 =	sld [smem:$0x3FBA]  }
0x39: {  	_ = 	snop;
	(pc) =	sbr.ind lr, $3  }
0x3a: {  	_ = 	snop  }
0x3b: {  	_ = 	snop  }
0x3c: {  	p2 =	seq.s32 s10, $0x1;
	s10 =	sld [smem:$0x3FB9]  }
0x3d: {  	_ =	shalt  }
0x3e: {  	_ =	shalt  }
0x3f: {  	_ =	shalt  }
0x40: {  	_ =	shalt  }
0x41: {  	_ =	shalt  }
0x42: {  	_ =	shalt  }
0x43: {  	_ =	shalt  }
0x44: {  	_ =	shalt  }
0x45: {  	_ =	shalt  }
0x46: {  	_ =	shalt  }
0x47: {  	_ =	shalt  }
0x48: {  	_ =	shalt  }
0x49: {  	_ =	shalt  }
0x4a: {  	_ =	shalt  }
0x4b: {  	_ =	shalt  }
0x4c: {  	_ =	shalt  }
0x4d: {  	_ =	shalt  }
0x4e: {  	_ =	shalt  }
0x4f: {  	_ =	shalt  }
0x50: {  	_ =	shalt  }
0x51: {  	_ =	shalt  }
0x52: {  	_ =	shalt  }
0x53: {  	_ =	shalt  }
0x54: {  	_ =	shalt  }
0x55: {  	_ =	shalt  }
0x56: {  	_ =	shalt  }
0x57: {  	_ =	shalt  }
0x58: {  	_ =	shalt  }
0x59: {  	_ =	shalt  }
0x5a: {  	_ =	shalt  }
0x5b: {  	_ =	shalt  }
0x5c: {  	_ =	shalt  }
0x5d: {  	_ =	shalt  }
0x5e: {  	_ =	shalt  }
0x5f: {  	_ =	shalt  }
0x60: {  	_ =	shalt  }
0x61: {  	_ =	shalt  }
0x62: {  	_ =	shalt  }
0x63: {  	_ =	shalt  }
0x64: {  	_ =	shalt  }
0x65: {  	_ =	shalt  }
0x66: {  	_ =	shalt  }
0x67: {  	_ =	shalt  }
0x68: {  	_ =	shalt  }
0x69: {  	_ =	shalt  }
0x6a: {  	_ =	shalt  }
0x6b: {  	_ =	shalt  }
0x6c: {  	_ =	shalt  }
0x6d: {  	_ =	shalt  }
0x6e: {  	_ =	shalt  }
0x6f: {  	_ =	shalt  }
0x70: {  	_ =	shalt  }
0x71: {  	_ =	shalt  }
0x72: {  	_ =	shalt  }
0x73: {  	_ =	shalt  }
0x74: {  	_ =	shalt  }
0x75: {  	_ =	shalt  }
0x76: {  	_ =	shalt  }
0x77: {  	_ =	shalt  }
0x78: {  	_ =	shalt  }
0x79: {  	_ =	shalt  }
0x7a: {  	_ =	shalt  }
0x7b: {  	_ =	shalt  }
0x7c: {  	_ =	shalt  }
0x7d: {  	_ =	shalt  }
0x7e: {  	_ =	shalt  }
0x7f: {  	_ =	shalt  }
0x80: {  	_ =	shalt  }
0x81: {  	_ =	shalt  }
0x82: {  	_ =	shalt  }
0x83: {  	_ =	shalt  }
0x84: {  	_ =	shalt  }
0x85: {  	_ =	shalt  }
0x86: {  	_ =	shalt  }
0x87: {  	_ =	shalt  }
.Lfunc_end0:
.L_simem_size_0:
called_computation_lowered:
.L_overlay_start_0:
0x88: {  	s2 =	sld [smem:$0x3FD9]  }
0x89: {  	s3 =	sld [smem:$0x3FFE];
	_ =	sdelay $0x1  }
0x8a: {  	s1 =	srdreg.scid  }
0x8b: {  	s0 =	sand.u32 $0x1, s1  }
0x8c: {  	s17 =	sshll.u32 s0, $0xA;
	s2 =	sadd.s32 s3, s2  }
0x8d: {  	s2 =	sadd.s32 s2, s17  }
0x8e: {  	[smem:$0x3FC5] =	sst s2  }
0x8f: {  	_ = 	snop  }
0x90: {  	s2 =	sld [smem:$0x3FC8];
	(tm) =	ssettm $0x1  }
0x91: {  	s18 =	sld [smem:$0x3FFB];
	_ =	sdelay $0x3  }
0x92: {  	_ =	strace s18  }
0x93: {  	s3 =	sld [smem:$0x3FFC];
	_ =	sdelay $0x3  }
0x94: {  	_ =	strace s3  }
0x95: {  	s3 =	sld [smem:$0x3FFD];
	_ =	sdelay $0x3  }
0x96: {  	_ =	strace s3  }
0x97: {  	_ =	strace $0x8FFFFFFF  }
0x98: {  	s19 =	sld [smem:$0x3FDB];
	_ =	sdelay $0x1  }
0x99: {  	s4 =	simm.s32 $_scs_section_size  }
0x9a: {  	s5 =	simm.s32 $_size__tile_overlayer_lowered;
	s6 =	simm.s32 $_tile_overlayer_lowered  }
0x9b: {  	s22 =	simm.s32 $0x1BFF;
	s21 =	sshll.u32 s6, $0x1;
	s3 =	sadd.s32 s4, s19  }
0x9c: {  	s7 =	simm.s32 $0x0;
	s20 =	sshll.u32 s5, $0x1;
	s5 =	sadd.s32 s21, s3  }
0x9d: {  	[timem:s7], [sflag:s22] =	dma.local [hbm:s5], s20  }
0x9e: {  	_ =	swait.ge [sflag:s22], s20  }
0x9f: {  	s4 =	ssub.s32 $0x0, s20;
	[sflag:s22] =	ssyncset.done $0x0  }
0xa0: {  	[sflag:s22] =	ssyncadd.s32 s4;
	_ =	sdelay $0x1  }
0xa1: {  	s23 =	simm.s32 $0x1B8B  }
0xa2: {  	_ =	swait.ge [sflag:s23], $0x1  }
0xa3: {  	[sflag:s23] =	ssyncset.done $0x0  }
0xa4: {  	s25 =	simm.s32 $0x1B8E;
	s24 =	sld [smem:$0x3FFE];
	[sflag:s23] =	ssyncadd.s32 $0xFFFFFFFF  }
0xa5: {  	s26 =	simm.s32 $execute0_lowered;
	[smem:$0x3FD2] =	sst s25  }
0xa6: {  	s5 =	sshll.u32 s26, $0x1;
	_ =	strace $0x80000046;
	[dreg:$0x1] =	wrdreg $0xFFFFFFFF  }
0xa7: {  	s28 =	simm.s32 $_size_execute0_lowered;
	s3 =	sadd.s32 s3, s5;
	[dreg:$0x0] =	wrdreg $0x0  }
0xa8: {  	s5 =	sshll.u32 s28, $0x1;
	[dreg:$0x2] =	wrdreg s3  }
0xa9: {  	[dreg:$0x3] =	wrdreg s5  }
0xaa: {  	[dreg:$0x4] =	wrdreg $0xC0  }
0xab: {  	_ =	task [dreg:s7], $0x5FFFF  }
0xac: {  	[dreg:$0x1] =	wrdreg $0xFFFFFFFF  }
0xad: {  	[dreg:$0x0] =	wrdreg $0x60  }
0xae: {  	[dreg:$0x2] =	wrdreg s24  }
0xaf: {  	[dreg:$0x3] =	wrdreg s2  }
0xb0: {  	[dreg:$0x4] =	wrdreg $0x9  }
0xb1: {  	_ =	task.clear_ibuf [dreg:s7], $0x5FFFF;
	_ =	strace $0x90000046  }
0xb2: {  	s29 =	simm.s32 $0x9;
	_ =	strace $0x80000048  }
0xb3: {  	_ =	swait.ge [sflag:s29], $0x1  }
0xb4: {  	[sflag:s29] =	ssyncadd.s32 $0xFFFFFFFF  }
0xb5: {  	_ =	strace $0x90000048  }
0xb6: {  	_ =	sfence  }
0xb7: {  	s30 =	sld [smem:$0x0];
	_ =	sdelay $0x2  }
0xb8: {  	s31 =	sshll.u32 s1, $0xD;
	s1 =	sshrl.u32 s1, $0x2  }
0xb9: {  	s3 =	sand.u32 $0x4000, s31;
	s1 =	sadd.s32 s1, s30  }
0xba: {  	s0 =	sor.u32 s3, s0;
	s1 =	sshll.u32 s1, $0x11  }
0xbb: {  	s0 =	sor.u32 s1, s0  }
0xbc: {  	s0 =	sadd.s32 $0x8F2B, s0  }
0xbd: {  	[sflag:s0] =	ssyncadd.remote.s32 $0x1  }
0xbe: {  	_ =	sfence.sel $0xFFFF  }
0xbf: {  	[dreg:$0x0] =	wrdreg $0xFFFFFFFF;
	(pc) =	sbr.abs _section_cstart, $3  }
0xc0: {  	[dreg:$0x1] =	wrdreg $0xFFFFFFFF  }
0xc1: {  	_ =	task.clear_ibuf [dreg:s7], $0x2FFFF;
	_ =	strace $0x9FFFFFFF  }
0xc2: {  	(tm) =	ssettm $0x7FFFFFFF  }
0xc3: {  	_ =	shalt  }
tec
execute0_lowered:
.L_overlay_start_1:
0x0: {  	(tag) =	ssettag $0x1  }
0x1: {  	s4 =	rddreg [dreg:$0x0];
	s1 =	srdreg.scid  }
0x2: {  	s0 =	stileid.u32;
	s5 =	rddreg [dreg:$0x1];
	s2 =	simm.s32 $0x0  }
0x3: {  	s11 =	simm.s32 $0x400;
	s12 =	simm.s32 $0x4400;
	s13 =	simm.s32 $0x1  }
0x4: {  	s14 =	simm.s32 $0x8600;
	s3 =	sand.u32 $0x1, s1;
	s1 =	rddreg [dreg:$0x2]  }
0x5: {  	s15 =	simm.s32 $0x0;
	s6 =	sshll.u32 s0, $0x1;
	[smem:$0x7FF] =	sst s2  }
0x6: {  	s6 =	sor.u32 s3, s6;
	_ =	strace $0x80000047;
	s8 =	ssub.s32 $0x2, s3  }
0x7: {  	s3 =	sadd.s32 $0xF42600, s4;
	s7 =	sshll.u32 s6, $0x7;
	s9 =	sshll.u32 s6, $0x4  }
0x8: {  	s10 =	sshrl.u32 s8, $0x1;
	s6 =	sshll.u32 s6, $0x6;
	s7 =	sadd.s32 s7, s4  }
0x9: {  	s9 =	sadd.s32 s9, s4;
	s8 =	ssub.s32 s8, s10;
	s5 =	sadd.s32 s5, s6  }
0xa: {  	v0 =	vlaneseq.u32;
	s10 =	simm.s32 $0x4000;
	s4 =	sadd.s32 $0x200, s7;
	s6 =	sadd.s32 $0x1200, s9  }
0xb: {  	v0 =	vmul.u32 $0x2, v0;
	s7 =	smax.u32 s8, $0x1;
	s8 =	simm.s32 $0x2;
	s9 =	simm.s32 $0x8400  }
.LBB2_1:
0xc: {  	[tilespmem:s2], [sflag:$0x2] =	stream.linear.gather [hbm4b:s4+s2], $0x400, $0x38;
	[tilespmem:$0x8680] =	vst v63  }
0xd: {  	_ =	swait.ge [sflag:s8], $0x400  }
0xe: {  	[sflag:s8] =	ssyncset.done $0x0  }
0xf: {  	[sflag:s8] =	ssyncadd.s32 $0xFFFFFC00  }
0x10: {  	[tilespmem:s9], [sflag:$0x2] =	stream.linear.gather [hbm4b:s5+s2], $0x200, $0x38;
	[tilespmem:$0x8680] =	vst v63  }
0x11: {  	_ =	swait.ge [sflag:s8], $0x200  }
0x12: {  	[sflag:s8] =	ssyncset.done $0x0  }
0x13: {  	[sflag:s8] =	ssyncadd.s32 $0xFFFFFE00  }
0x14: {  	v1 =	vld [tilespmem:s2+$0x0];
	_ =	sdelay $0x4  }
0x15: {  	v1 =	vshll.u32 v1, $0x4  }
0x16: {  	s17 =	sand.u32 $0x3F0, s2;
	[tilespmem:s11+$0x0] =	vst v1;
	v2 =	vor.u32 $0x2, v1  }
0x17: {  	v3 =	vor.u32 $0x1, v1;
	[tilespmem:s17+$0xC00] =	vst v2  }
0x18: {  	v2 =	vor.u32 $0x3, v1;
	[tilespmem:s17+$0x800] =	vst v3  }
0x19: {  	v3 =	vor.u32 $0x4, v1;
	[tilespmem:s17+$0x1000] =	vst v2  }
0x1a: {  	v2 =	vor.u32 $0x5, v1;
	[tilespmem:s17+$0x1400] =	vst v3  }
0x1b: {  	v3 =	vor.u32 $0x6, v1;
	[tilespmem:s17+$0x1800] =	vst v2  }
0x1c: {  	v2 =	vor.u32 $0x7, v1;
	[tilespmem:s17+$0x1C00] =	vst v3  }
0x1d: {  	v3 =	vor.u32 $0x8, v1;
	[tilespmem:s17+$0x2000] =	vst v2  }
0x1e: {  	v2 =	vor.u32 $0x9, v1;
	[tilespmem:s17+$0x2400] =	vst v3  }
0x1f: {  	v3 =	vor.u32 $0xA, v1;
	[tilespmem:s17+$0x2800] =	vst v2  }
0x20: {  	v2 =	vor.u32 $0xB, v1;
	[tilespmem:s17+$0x2C00] =	vst v3  }
0x21: {  	v3 =	vor.u32 $0xC, v1;
	[tilespmem:s17+$0x3000] =	vst v2  }
0x22: {  	v2 =	vor.u32 $0xD, v1;
	[tilespmem:s17+$0x3400] =	vst v3  }
0x23: {  	v3 =	vor.u32 $0xE, v1;
	[tilespmem:s17+$0x3800] =	vst v2  }
0x24: {  	v1 =	vor.u32 $0xF, v1;
	[tilespmem:s17+$0x3C00] =	vst v3  }
0x25: {  	s16 =	simm.s32 $0x10;
	[tilespmem:s17+$0x4000] =	vst v1  }
0x26: {  	s18 =	simm.s32 $0x20;
	s19 =	simm.s32 $0x10;
	s17 =	simm.s32 $0x400;
	v1 =	vld [tilespmem:s16+$0x0]  }
.LBB2_2:
0x27: {  	p0 =	sne.s32 s18, $0x3F0;
	_ =	sdelay $0x3  }
0x28: {  	s17 =	sadd.s32 $0x10, s17;
	v1 =	vshll.u32 v1, $0x4  }
0x29: {  	s20 =	sand.u32 $0x3F0, s16;
	s16 =	smov.u32 s18;
	[tilespmem:s17+$0x0] =	vst v1;
	v2 =	vor.u32 $0x1, v1;
	v3 =	vor.u32 $0x2, v1;
	v4 =	vor.u32 $0x3, v1  }
0x2a: {  	v5 =	vor.u32 $0x5, v1;
	v6 =	vor.u32 $0x6, v1;
	[tilespmem:s20+$0xC00] =	vst v3;
	v3 =	vor.u32 $0x4, v1  }
0x2b: {  	v7 =	vor.u32 $0x8, v1;
	v8 =	vor.u32 $0x9, v1;
	[tilespmem:s20+$0x800] =	vst v2;
	v2 =	vor.u32 $0x7, v1  }
0x2c: {  	v9 =	vor.u32 $0xB, v1;
	v10 =	vor.u32 $0xC, v1;
	[tilespmem:s20+$0x1000] =	vst v4;
	v4 =	vor.u32 $0xA, v1  }
0x2d: {  	v11 =	vor.u32 $0xE, v1;
	[tilespmem:s20+$0x1400] =	vst v3;
	v3 =	vor.u32 $0xD, v1;
	v1 =	vor.u32 $0xF, v1  }
0x2e: {  	[tilespmem:s20+$0x1800] =	vst v5  }
0x2f: {  	[tilespmem:s20+$0x1C00] =	vst v6  }
0x30: {  	[tilespmem:s20+$0x2000] =	vst v2  }
0x31: {  	[tilespmem:s20+$0x2400] =	vst v7  }
0x32: {  	[tilespmem:s20+$0x2800] =	vst v8  }
0x33: {  	[tilespmem:s20+$0x2C00] =	vst v4  }
0x34: {  	[tilespmem:s20+$0x3000] =	vst v9  }
.Ltmp0:
0x35: {  	[tilespmem:s20+$0x3400] =	vst v10;
	(pc) =	sbr.rel @p0 .LBB2_2-.Ltmp0, $4  }
0x36: {  	[tilespmem:s20+$0x3800] =	vst v3  }
0x37: {  	[tilespmem:s20+$0x3C00] =	vst v11  }
0x38: {  	s19 =	sadd.s32 $0x10, s19;
	[tilespmem:s20+$0x4000] =	vst v1  }
0x39: {  	s18 =	sadd.s32 $0x10, s18;
	v1 =	vld [tilespmem:s19+$0x0]  }
0x3a: {  	_ =	sdelay $0x3  }
0x3b: {  	s17 =	sadd.s32 $0x10, s17;
	v1 =	vshll.u32 v1, $0x4  }
0x3c: {  	s16 =	sand.u32 $0x3F0, s16;
	[tilespmem:s17+$0x0] =	vst v1;
	v2 =	vor.u32 $0x2, v1  }
0x3d: {  	v3 =	vor.u32 $0x1, v1;
	[tilespmem:s16+$0xC00] =	vst v2  }
0x3e: {  	v2 =	vor.u32 $0x3, v1;
	[tilespmem:s16+$0x800] =	vst v3  }
0x3f: {  	v3 =	vor.u32 $0x4, v1;
	[tilespmem:s16+$0x1000] =	vst v2  }
0x40: {  	v2 =	vor.u32 $0x5, v1;
	[tilespmem:s16+$0x1400] =	vst v3  }
0x41: {  	v3 =	vor.u32 $0x6, v1;
	[tilespmem:s16+$0x1800] =	vst v2  }
0x42: {  	v2 =	vor.u32 $0x7, v1;
	[tilespmem:s16+$0x1C00] =	vst v3  }
0x43: {  	v3 =	vor.u32 $0x8, v1;
	[tilespmem:s16+$0x2000] =	vst v2  }
0x44: {  	v2 =	vor.u32 $0x9, v1;
	[tilespmem:s16+$0x2400] =	vst v3  }
0x45: {  	v3 =	vor.u32 $0xA, v1;
	[tilespmem:s16+$0x2800] =	vst v2  }
0x46: {  	v2 =	vor.u32 $0xB, v1;
	[tilespmem:s16+$0x2C00] =	vst v3  }
0x47: {  	v3 =	vor.u32 $0xC, v1;
	[tilespmem:s16+$0x3000] =	vst v2  }
0x48: {  	v2 =	vor.u32 $0xD, v1;
	[tilespmem:s16+$0x3400] =	vst v3  }
0x49: {  	s24 =	simm.s32 $0x0;
	v3 =	vor.u32 $0xE, v1;
	[tilespmem:s16+$0x3800] =	vst v2  }
0x4a: {  	v1 =	vor.u32 $0xF, v1;
	[tilespmem:s16+$0x3C00] =	vst v3;
	v2 =	vmov s24  }
0x4b: {  	[tilespmem:s16+$0x4000] =	vst v1;
	v1 =	vshll.u32 v2, $0x1  }
0x4c: {  	[tilespmem:s12], [sflag:$0x1] =	stream.indirect.gather [hbm4b:s3+s10], $0x1, s11, s10, $0xb8;
	v2 =	vor.u32 v0, v1;
	[tilespmem:$0x8680] =	vst v63  }
0x4d: {  	_ =	swait.ge [sflag:s13], $0x4000;
	v3 =	vor.u32 $0x400, v2  }
0x4e: {  	[sflag:s13] =	ssyncset.done $0x0;
	v4 =	vor.u32 $0x401, v2  }
0x4f: {  	s25 =	simm.s32 $0x8400;
	v5 =	vor.u32 $0xC00, v2;
	[sflag:s13] =	ssyncadd.s32 $0xFFFFC000  }
0x50: {  	v6 =	vor.u32 $0x1, v2;
	v1 =	vld [tilespmem:s25+$0x0]  }
0x51: {  	v8 =	vor.u32 $0x1400, v2;
	v7 =	vld.idx.msk [tilespmem:v2+s12+$0x0], $0xffff  }
0x52: {  	v9 =	vor.u32 $0x1000, v2;
	v10 =	vld.idx.msk [tilespmem:v3+s12+$0x0], $0xffff  }
0x53: {  	v11 =	vor.u32 $0x1001, v2;
	v4 =	vld.idx.msk [tilespmem:v4+s12+$0x0], $0xffff  }
0x54: {  	v12 =	vor.u32 $0x1401, v2;
	v5 =	vld.idx.msk [tilespmem:v5+s12+$0x0], $0xffff  }
0x55: {  	v13 =	vor.u32 $0x1800, v2;
	v6 =	vld.idx.msk [tilespmem:v6+s12+$0x0], $0xffff  }
0x56: {  	v14 =	vor.u32 $0x801, v2;
	v8 =	vld.idx.msk [tilespmem:v8+s12+$0x0], $0xffff  }
0x57: {  	v15 =	vor.u32 $0x800, v2;
	v9 =	vld.idx.msk [tilespmem:v9+s12+$0x0], $0xffff  }
0x58: {  	v3 =	vor.u32 $0x1801, v2;
	v11 =	vld.idx.msk [tilespmem:v11+s12+$0x0], $0xffff  }
0x59: {  	v17 =	vor.u32 $0x1C00, v2;
	v12 =	vld.idx.msk [tilespmem:v12+s12+$0x0], $0xffff  }
0x5a: {  	v18 =	vor.u32 $0x1C01, v2;
	v13 =	vld.idx.msk [tilespmem:v13+s12+$0x0], $0xffff  }
0x5b: {  	v19 =	vor.u32 $0x2000, v2;
	v14 =	vld.idx.msk [tilespmem:v14+s12+$0x0], $0xffff  }
0x5c: {  	v20 =	vor.u32 $0x2001, v2;
	v15 =	vld.idx.msk [tilespmem:v15+s12+$0x0], $0xffff  }
0x5d: {  	v16 =	vld.idx.msk [tilespmem:v3+s12+$0x0], $0xffff;
	v3 =	vor.u32 $0xC01, v2  }
0x5e: {  	v22 =	vor.u32 $0x2401, v2;
	v17 =	vld.idx.msk [tilespmem:v17+s12+$0x0], $0xffff  }
0x5f: {  	v23 =	vor.u32 $0x2800, v2;
	v18 =	vld.idx.msk [tilespmem:v18+s12+$0x0], $0xffff  }
0x60: {  	v24 =	vor.u32 $0x2801, v2;
	v19 =	vld.idx.msk [tilespmem:v19+s12+$0x0], $0xffff  }
0x61: {  	v25 =	vor.u32 $0x2C00, v2;
	v20 =	vld.idx.msk [tilespmem:v20+s12+$0x0], $0xffff  }
0x62: {  	v21 =	vld.idx.msk [tilespmem:v3+s12+$0x0], $0xffff;
	v3 =	vor.u32 $0x2400, v2  }
0x63: {  	v26 =	vor.u32 $0x2C01, v2;
	v22 =	vld.idx.msk [tilespmem:v22+s12+$0x0], $0xffff  }
0x64: {  	v28 =	vor.u32 $0x3800, v2;
	v23 =	vld.idx.msk [tilespmem:v23+s12+$0x0], $0xffff  }
0x65: {  	v29 =	vor.u32 $0x3801, v2;
	v24 =	vld.idx.msk [tilespmem:v24+s12+$0x0], $0xffff  }
0x66: {  	v30 =	vor.u32 $0x3C01, v2;
	v25 =	vld.idx.msk [tilespmem:v25+s12+$0x0], $0xffff  }
0x67: {  	v27 =	vld.idx.msk [tilespmem:v3+s12+$0x0], $0xffff;
	v3 =	vor.u32 $0x3400, v2  }
0x68: {  	v31 =	vor.u32 $0x3C00, v2;
	v26 =	vld.idx.msk [tilespmem:v26+s12+$0x0], $0xffff  }
0x69: {  	v33 =	vor.u32 $0x3000, v2;
	v28 =	vld.idx.msk [tilespmem:v28+s12+$0x0], $0xffff  }
0x6a: {  	s26 =	simm.s32 $0x10;
	v35 =	vor.u32 $0x3001, v2;
	v29 =	vld.idx.msk [tilespmem:v29+s12+$0x0], $0xffff  }
0x6b: {  	v34 =	vmov s26;
	v30 =	vld.idx.msk [tilespmem:v30+s12+$0x0], $0xffff  }
0x6c: {  	v32 =	vld.idx.msk [tilespmem:v3+s12+$0x0], $0xffff;
	v3 =	vor.u32 $0x3401, v2;
	v2 =	vshll.u32 v34, $0x1  }
0x6d: {  	v31 =	vld.idx.msk [tilespmem:v31+s12+$0x0], $0xffff;
	v34 =	vor.u32 v0, v2  }
0x6e: {  	v33 =	vld.idx.msk [tilespmem:v33+s12+$0x0], $0xffff;
	v36 =	vor.u32 $0x400, v34  }
0x6f: {  	s28 =	simm.s32 $0x8410;
	v35 =	vld.idx.msk [tilespmem:v35+s12+$0x0], $0xffff;
	v37 =	vor.u32 $0x401, v34  }
0x70: {  	v2 =	vld [tilespmem:s28+$0x0];
	v39 =	vor.u32 $0xC00, v34  }
0x71: {  	v40 =	vor.u32 $0x1, v34;
	v38 =	vld.idx.msk [tilespmem:v3+s12+$0x0], $0xffff  }
0x72: {  	v6 =	vsub.f32 v7, v6;
	v42 =	vor.u32 $0x1400, v34;
	v41 =	vld.idx.msk [tilespmem:v34+s12+$0x0], $0xffff  }
0x73: {  	v9 =	vsub.f32 v9, v11;
	v4 =	vsub.f32 v10, v4;
	v7 =	vor.u32 $0x1000, v34;
	v36 =	vld.idx.msk [tilespmem:v36+s12+$0x0], $0xffff  }
0x74: {  	v8 =	vsub.f32 v8, v12;
	v14 =	vsub.f32 v15, v14;
	v11 =	vor.u32 $0x1801, v34;
	v10 =	vld.idx.msk [tilespmem:v37+s12+$0x0], $0xffff  }
0x75: {  	v6 =	vmul.f32 v6, v6;
	v4 =	vmul.f32 v4, v4;
	v12 =	vor.u32 $0x1001, v34;
	v62 =	vld.idx.msk [tilespmem:v39+s12+$0x0], $0xffff  }
0x76: {  	v14 =	vmul.f32 v14, v14;
	v15 =	vor.u32 $0x1401, v34;
	v63 =	vld.idx.msk [tilespmem:v40+s12+$0x0], $0xffff  }
0x77: {  	v4 =	vadd.f32 v4, v6;
	v5 =	vsub.f32 v5, v21;
	v21 =	vor.u32 $0x1800, v34;
	v45 =	vld.idx.msk [tilespmem:v42+s12+$0x0], $0xffff  }
0x78: {  	v17 =	vsub.f32 v17, v18;
	v13 =	vsub.f32 v13, v16;
	v6 =	vor.u32 $0x801, v34;
	v7 =	vld.idx.msk [tilespmem:v7+s12+$0x0], $0xffff  }
0x79: {  	v4 =	vadd.f32 v14, v4;
	v5 =	vmul.f32 v5, v5;
	v16 =	vor.u32 $0x800, v34;
	v11 =	vld.idx.msk [tilespmem:v11+s12+$0x0], $0xffff  }
0x7a: {  	v19 =	vsub.f32 v19, v20;
	v23 =	vsub.f32 v23, v24;
	v14 =	vor.u32 $0xC01, v34;
	v12 =	vld.idx.msk [tilespmem:v12+s12+$0x0], $0xffff  }
0x7b: {  	v9 =	vmul.f32 v9, v9;
	v4 =	vadd.f32 v5, v4;
	v18 =	vor.u32 $0x1C00, v34;
	v15 =	vld.idx.msk [tilespmem:v15+s12+$0x0], $0xffff  }
0x7c: {  	v30 =	vsub.f32 v31, v30;
	v25 =	vsub.f32 v25, v26;
	v20 =	vor.u32 $0x1C01, v34;
	v5 =	vld.idx.msk [tilespmem:v21+s12+$0x0], $0xffff  }
0x7d: {  	v8 =	vmul.f32 v8, v8;
	v4 =	vadd.f32 v9, v4;
	v9 =	vor.u32 $0x2001, v34;
	v6 =	vld.idx.msk [tilespmem:v6+s12+$0x0], $0xffff  }
0x7e: {  	v33 =	vsub.f32 v33, v35;
	v28 =	vsub.f32 v28, v29;
	v24 =	vor.u32 $0x2400, v34;
	v16 =	vld.idx.msk [tilespmem:v16+s12+$0x0], $0xffff  }
0x7f: {  	v13 =	vmul.f32 v13, v13;
	v31 =	vor.u32 $0x2800, v34;
	v4 =	vadd.f32 v8, v4;
	v14 =	vld.idx.msk [tilespmem:v14+s12+$0x0], $0xffff  }
0x80: {  	v17 =	vmul.f32 v17, v17;
	v19 =	vmul.f32 v19, v19;
	v46 =	vor.u32 $0x2C00, v34;
	v18 =	vld.idx.msk [tilespmem:v18+s12+$0x0], $0xffff  }
0x81: {  	v23 =	vmul.f32 v23, v23;
	v29 =	vor.u32 $0x3C00, v34;
	v4 =	vadd.f32 v13, v4;
	v20 =	vld.idx.msk [tilespmem:v20+s12+$0x0], $0xffff  }
0x82: {  	v30 =	vmul.f32 v30, v30;
	v26 =	vor.u32 $0x3001, v34;
	v48 =	vor.u32 $0x3401, v34;
	v9 =	vld.idx.msk [tilespmem:v9+s12+$0x0], $0xffff  }
0x83: {  	v47 =	vor.u32 $0x2C01, v34;
	v43 =	vor.u32 $0x3400, v34;
	v4 =	vadd.f32 v17, v4;
	v17 =	vld.idx.msk [tilespmem:v24+s12+$0x0], $0xffff  }
0x84: {  	v50 =	vor.u32 $0x3801, v34;
	v8 =	vor.u32 $0x2401, v34;
	v21 =	vsub.f32 v27, v22;
	v31 =	vld.idx.msk [tilespmem:v31+s12+$0x0], $0xffff  }
0x85: {  	v3 =	vimm.f32 $0.0e+00;
	v13 =	vor.u32 $0x2801, v34;
	v22 =	vor.u32 $0x2000, v34;
	v35 =	vld.idx.msk [tilespmem:v46+s12+$0x0], $0xffff  }
0x86: {  	v27 =	vor.u32 $0x3000, v34;
	v29 =	vld.idx.msk [tilespmem:v29+s12+$0x0], $0xffff;
	v21 =	vmul.f32 v21, v21;
	v4 =	vadd.f32 v19, v4  }
0x87: {  	v24 =	vmul.f32 v33, v33;
	v33 =	vld.idx.msk [tilespmem:v48+s12+$0x0], $0xffff;
	v19 =	vmul.f32 v25, v25;
	v32 =	vsub.f32 v32, v38  }
0x88: {  	v26 =	vld.idx.msk [tilespmem:v26+s12+$0x0], $0xffff;
	v25 =	vor.u32 $0x3800, v34;
	v34 =	vor.u32 $0x3C01, v34;
	v21 =	vadd.f32 v21, v4  }
0x89: {  	v8 =	vld.idx.msk [tilespmem:v8+s12+$0x0], $0xffff;
	v49 =	vsub.f32 v41, v63;
	v32 =	vmul.f32 v32, v32;
	v4 =	vsub.f32 v45, v15  }
0x8a: {  	s29 =	simm.s32 $0x20;
	v22 =	vld.idx.msk [tilespmem:v22+s12+$0x0], $0xffff;
	v7 =	vsub.f32 v7, v12;
	v12 =	vmul.f32 v28, v28;
	v10 =	vsub.f32 v36, v10  }
0x8b: {  	v13 =	vld.idx.msk [tilespmem:v13+s12+$0x0], $0xffff;
	v6 =	vsub.f32 v16, v6;
	v16 =	vmul.f32 v4, v4;
	v4 =	vmov s29  }
0x8c: {  	v28 =	vld.idx.msk [tilespmem:v47+s12+$0x0], $0xffff;
	v38 =	vmul.f32 v49, v49;
	v10 =	vmul.f32 v10, v10;
	v4 =	vshll.u32 v4, $0x1  }
0x8d: {  	v15 =	vld.idx.msk [tilespmem:v43+s12+$0x0], $0xffff;
	v5 =	vsub.f32 v5, v11;
	v14 =	vsub.f32 v62, v14;
	v36 =	vor.u32 v0, v4  }
0x8e: {  	v27 =	vld.idx.msk [tilespmem:v27+s12+$0x0], $0xffff;
	v6 =	vmul.f32 v6, v6;
	v10 =	vadd.f32 v10, v38;
	v51 =	vor.u32 $0x400, v36  }
0x8f: {  	v8 =	vsub.f32 v17, v8;
	v11 =	vld.idx.msk [tilespmem:v25+s12+$0x0], $0xffff;
	v9 =	vsub.f32 v22, v9;
	v22 =	vor.u32 $0x401, v36  }
0x90: {  	v25 =	vld.idx.msk [tilespmem:v50+s12+$0x0], $0xffff;
	v14 =	vmul.f32 v14, v14;
	v17 =	vor.u32 $0x1, v36;
	v6 =	vadd.f32 v6, v10  }
0x91: {  	v34 =	vld.idx.msk [tilespmem:v34+s12+$0x0], $0xffff;
	v13 =	vsub.f32 v31, v13;
	v52 =	vmul.f32 v8, v8;
	v8 =	vor.u32 $0x1000, v36  }
0x92: {  	v18 =	vsub.f32 v18, v20;
	v54 =	vor.u32 $0x1001, v36;
	v6 =	vadd.f32 v14, v6;
	v14 =	vld.idx.msk [tilespmem:v36+s12+$0x0], $0xffff  }
0x93: {  	v21 =	vadd.f32 v23, v21;
	v20 =	vmul.f32 v13, v13;
	v62 =	vor.u32 $0x1800, v36;
	v13 =	vld.idx.msk [tilespmem:v51+s12+$0x0], $0xffff  }
0x94: {  	v7 =	vmul.f32 v7, v7;
	v5 =	vmul.f32 v5, v5;
	v53 =	vor.u32 $0x801, v36;
	v60 =	vld.idx.msk [tilespmem:v22+s12+$0x0], $0xffff  }
0x95: {  	v18 =	vmul.f32 v18, v18;
	v31 =	vor.u32 $0x1400, v36;
	v49 =	vor.u32 $0x3400, v36;
	v17 =	vld.idx.msk [tilespmem:v17+s12+$0x0], $0xffff  }
0x96: {  	v40 =	vor.u32 $0x3000, v36;
	v61 =	vor.u32 $0x1401, v36;
	v10 =	vor.u32 $0xC00, v36;
	v45 =	vld.idx.msk [tilespmem:v8+s12+$0x0], $0xffff  }
0x97: {  	v28 =	vsub.f32 v35, v28;
	v63 =	vor.u32 $0x3001, v36;
	v44 =	vor.u32 $0x2000, v36;
	v41 =	vld.idx.msk [tilespmem:v54+s12+$0x0], $0xffff  }
0x98: {  	v46 =	vor.u32 $0x2001, v36;
	v47 =	vor.u32 $0x2401, v36;
	v22 =	vor.u32 $0x1801, v36;
	v56 =	vld.idx.msk [tilespmem:v62+s12+$0x0], $0xffff  }
0x99: {  	v48 =	vor.u32 $0x2C01, v36;
	v6 =	vadd.f32 v7, v6;
	v7 =	vor.u32 $0x800, v36;
	v58 =	vld.idx.msk [tilespmem:v53+s12+$0x0], $0xffff  }
0x9a: {  	v57 =	vor.u32 $0x1C01, v36;
	v15 =	vsub.f32 v15, v33;
	v23 =	vor.u32 $0x3401, v36;
	v43 =	vld.idx.msk [tilespmem:v49+s12+$0x0], $0xffff  }
0x9b: {  	v59 =	vor.u32 $0x2400, v36;
	v55 =	vld.idx.msk [tilespmem:v10+s12+$0x0], $0xffff;
	v10 =	vor.u32 $0xC01, v36;
	v6 =	vadd.f32 v16, v6  }
0x9c: {  	v50 =	vor.u32 $0x3C00, v36;
	v29 =	vsub.f32 v29, v34;
	v16 =	vld.idx.msk [tilespmem:v31+s12+$0x0], $0xffff;
	v31 =	vor.u32 $0x1C00, v36  }
0x9d: {  	v9 =	vmul.f32 v9, v9;
	v8 =	vsub.f32 v27, v26;
	v5 =	vadd.f32 v5, v6;
	v6 =	vld.idx.msk [tilespmem:v22+s12+$0x0], $0xffff  }
0x9e: {  	v26 =	vor.u32 $0x2800, v36;
	v14 =	vsub.f32 v14, v17;
	v17 =	vld.idx.msk [tilespmem:v7+s12+$0x0], $0xffff;
	v7 =	vadd.f32 v19, v21  }
0x9f: {  	v27 =	vor.u32 $0x2801, v36;
	v8 =	vmul.f32 v8, v8;
	v5 =	vadd.f32 v18, v5;
	v18 =	vld.idx.msk [tilespmem:v61+s12+$0x0], $0xffff  }
0xa0: {  	v22 =	vmul.f32 v28, v28;
	v19 =	vor.u32 $0x3800, v36;
	v28 =	vld.idx.msk [tilespmem:v10+s12+$0x0], $0xffff;
	v24 =	vadd.f32 v24, v7  }
0xa1: {  	v21 =	vor.u32 $0x3801, v36;
	v5 =	vadd.f32 v9, v5;
	v9 =	vsub.f32 v11, v25;
	v11 =	vld.idx.msk [tilespmem:v31+s12+$0x0], $0xffff  }
0xa2: {  	v13 =	vsub.f32 v13, v60;
	v10 =	vmul.f32 v15, v15;
	v15 =	vor.u32 $0x3C01, v36;
	v25 =	vld.idx.msk [tilespmem:v57+s12+$0x0], $0xffff  }
0xa3: {  	v7 =	vmul.f32 v29, v29;
	v29 =	vsub.f32 v45, v41;
	v31 =	vld.idx.msk [tilespmem:v44+s12+$0x0], $0xffff;
	v24 =	vadd.f32 v32, v24  }
0xa4: {  	v14 =	vmul.f32 v14, v14;
	v13 =	vmul.f32 v13, v13;
	v44 =	vld.idx.msk [tilespmem:v23+s12+$0x0], $0xffff;
	v51 =	vadd.f32 v52, v5  }
0xa5: {  	v60 =	vld.idx.msk [tilespmem:v59+s12+$0x0], $0xffff;
	v9 =	vmul.f32 v9, v9;
	v17 =	vsub.f32 v17, v58;
	v12 =	vadd.f32 v12, v24  }
0xa6: {  	v6 =	vsub.f32 v56, v6;
	v5 =	vsub.f32 v16, v18;
	v16 =	vld.idx.msk [tilespmem:v46+s12+$0x0], $0xffff;
	v18 =	vor.u32 $0x2C00, v36  }
0xa7: {  	v24 =	vmul.f32 v29, v29;
	v29 =	vld.idx.msk [tilespmem:v47+s12+$0x0], $0xffff;
	v17 =	vmul.f32 v17, v17;
	v12 =	vadd.f32 v30, v12  }
0xa8: {  	v61 =	vmul.f32 v5, v5;
	v5 =	vld.idx.msk [tilespmem:v26+s12+$0x0], $0xffff;
	v11 =	vsub.f32 v11, v25;
	v26 =	vsub.f32 v55, v28  }
0xa9: {  	s30 =	simm.s32 $0x8420;
	v25 =	vld.idx.msk [tilespmem:v27+s12+$0x0], $0xffff;
	v27 =	vmul.f32 v6, v6;
	v57 =	vsub.f32 v43, v44;
	v6 =	vmax.f32 v12, $1.000000000e-30  }
0xaa: {  	v4 =	vld [tilespmem:s30+$0x0];
	v12 =	vadd.f32 v13, v14;
	v13 =	vshra.s32 v6, $0x1;
	v39 =	vmul.f32 $5.000000000e-01, v6  }
0xab: {  	v62 =	vld.idx.msk [tilespmem:v63+s12+$0x0], $0xffff;
	v42 =	vmul.f32 v11, v11;
	v16 =	vsub.f32 v31, v16;
	v13 =	vsub.s32 $0x5F3759DF, v13  }
0xac: {  	s31 =	simm.s32 $0x30;
	v11 =	vmul.f32 v26, v26;
	v28 =	vld.idx.msk [tilespmem:v18+s12+$0x0], $0xffff;
	v12 =	vadd.f32 v17, v12;
	v17 =	vmul.f32 v13, v39  }
0xad: {  	v14 =	vsub.f32 v60, v29;
	v18 =	vld.idx.msk [tilespmem:v15+s12+$0x0], $0xffff;
	v15 =	vmov s31;
	v46 =	vmul.f32 v16, v16  }
0xae: {  	v52 =	vld.idx.msk [tilespmem:v21+s12+$0x0], $0xffff;
	v16 =	vshll.u32 v15, $0x1;
	v12 =	vadd.f32 v11, v12;
	v17 =	vmul.f32 v13, v17  }
0xaf: {  	v47 =	vld.idx.msk [tilespmem:v19+s12+$0x0], $0xffff;
	v5 =	vsub.f32 v5, v25;
	v15 =	vmul.f32 v14, v14;
	v16 =	vor.u32 v0, v16  }
0xb0: {  	v19 =	vld.idx.msk [tilespmem:v50+s12+$0x0], $0xffff;
	v14 =	vor.u32 $0x400, v16;
	v21 =	vadd.f32 v24, v12;
	v12 =	vsub.f32 $1.500000000e+00, v17  }
0xb1: {  	v30 =	vld.idx.msk [tilespmem:v48+s12+$0x0], $0xffff;
	v11 =	vmul.f32 v5, v5;
	v48 =	vor.u32 $0x800, v16;
	v23 =	vor.u32 $0xC00, v16  }
0xb2: {  	s16 =	simm.s32 $0x8430;
	v25 =	vld.idx.msk [tilespmem:v40+s12+$0x0], $0xffff;
	v53 =	vor.u32 $0x801, v16;
	v24 =	vor.u32 $0x401, v16;
	v13 =	vmul.f32 v13, v12  }
0xb3: {  	v5 =	vld [tilespmem:s16+$0x0];
	v29 =	vor.u32 $0x1000, v16;
	v45 =	vor.u32 $0x1001, v16;
	v17 =	vor.u32 $0x1, v16  }
0xb4: {  	v54 =	vor.u32 $0xC01, v16;
	v55 =	vor.u32 $0x1800, v16;
	v63 =	vld.idx.msk [tilespmem:v16+s12+$0x0], $0xffff;
	v31 =	vmul.f32 v13, v39  }
0xb5: {  	v36 =	vor.u32 $0x1C00, v16;
	v18 =	vsub.f32 v19, v18;
	v19 =	vor.u32 $0x1400, v16;
	v26 =	vld.idx.msk [tilespmem:v14+s12+$0x0], $0xffff  }
0xb6: {  	v56 =	vor.u32 $0x1401, v16;
	v60 =	vsub.f32 v28, v30;
	v23 =	vld.idx.msk [tilespmem:v23+s12+$0x0], $0xffff;
	v28 =	vmul.f32 v31, v13  }
0xb7: {  	v35 =	vor.u32 $0x2000, v16;
	v34 =	vor.u32 $0x2001, v16;
	v30 =	vld.idx.msk [tilespmem:v24+s12+$0x0], $0xffff;
	v24 =	vor.u32 $0x1801, v16  }
0xb8: {  	v32 =	vor.u32 $0x2800, v16;
	v21 =	vadd.f32 v61, v21;
	v61 =	vld.idx.msk [tilespmem:v17+s12+$0x0], $0xffff;
	v17 =	vsub.f32 $1.500000000e+00, v28  }
0xb9: {  	v49 =	vor.u32 $0x1C01, v16;
	v12 =	vor.u32 $0x3000, v16;
	v14 =	vor.u32 $0x3001, v16;
	v41 =	vld.idx.msk [tilespmem:v29+s12+$0x0], $0xffff  }
0xba: {  	v27 =	vadd.f32 v27, v21;
	v29 =	vor.u32 $0x2801, v16;
	v37 =	vld.idx.msk [tilespmem:v19+s12+$0x0], $0xffff;
	v19 =	vmul.f32 v17, v13  }
0xbb: {  	v21 =	vor.u32 $0x3400, v16;
	v45 =	vld.idx.msk [tilespmem:v45+s12+$0x0], $0xffff;
	v31 =	vor.u32 $0x2401, v16;
	v28 =	vsub.f32 v25, v62  }
0xbc: {  	v25 =	vor.u32 $0x2C01, v16;
	v38 =	vld.idx.msk [tilespmem:v24+s12+$0x0], $0xffff;
	v13 =	vadd.f32 v42, v27;
	v24 =	vmul.f32 v19, v39  }
0xbd: {  	v44 =	vld.idx.msk [tilespmem:v56+s12+$0x0], $0xffff;
	v28 =	vmul.f32 v28, v28;
	v17 =	vor.u32 $0x3401, v16;
	v50 =	vsub.f32 v63, v61  }
0xbe: {  	v43 =	vld.idx.msk [tilespmem:v55+s12+$0x0], $0xffff;
	v27 =	vor.u32 $0x3800, v16;
	v63 =	vadd.f32 v20, v51;
	v62 =	vmul.f32 v24, v19  }
0xbf: {  	v48 =	vld.idx.msk [tilespmem:v48+s12+$0x0], $0xffff;
	v20 =	vor.u32 $0x3C00, v16;
	v42 =	vsub.f32 v47, v52;
	v51 =	vor.u32 $0x2400, v16  }
0xc0: {  	v47 =	vld.idx.msk [tilespmem:v54+s12+$0x0], $0xffff;
	v40 =	vadd.f32 v46, v13;
	v13 =	vmul.f32 v60, v60;
	v33 =	vsub.f32 $1.500000000e+00, v62  }
0xc1: {  	s17 =	simm.s32 $0x40;
	v46 =	vld.idx.msk [tilespmem:v53+s12+$0x0], $0xffff;
	v39 =	vmul.f32 v57, v57;
	v22 =	vadd.f32 v22, v63;
	v24 =	vor.u32 $0x3801, v16  }
.LBB2_4:
0xc2: {  	p0 =	sne.s32 s17, $0x1F0;
	v36 =	vld.idx.msk [tilespmem:v36+s12+$0x0], $0xffff;
	v52 =	vor.u32 $0x3C01, v16;
	v18 =	vmul.f32 v18, v18;
	v19 =	vmul.f32 v33, v19;
	s18 =	smov.u32 s17;
	s17 =	sadd.s32 $0x10, s17  }
0xc3: {  	v33 =	vsub.f32 v41, v45;
	v42 =	vmul.f32 v42, v42;
	v41 =	vld.idx.msk [tilespmem:v49+s12+$0x0], $0xffff;
	v49 =	vadd.f32 v8, v22  }
0xc4: {  	v45 =	vmul.f32 v50, v50;
	v22 =	vadd.f32 v15, v40;
	v35 =	vld.idx.msk [tilespmem:v35+s12+$0x0], $0xffff;
	v6 =	vmul.f32 v19, v6  }
0xc5: {  	v16 =	vor.u32 $0x2C00, v16;
	v15 =	vsub.f32 v37, v44;
	v8 =	vmovc v28;
	v19 =	vld.idx.msk [tilespmem:v34+s12+$0x0], $0xffff;
	v34 =	vadd.f32 v10, v49  }
0xc6: {  	v26 =	vsub.f32 v26, v30;
	v28 =	vmul.f32 v33, v33;
	v10 =	vmovc v39;
	v30 =	vld.idx.msk [tilespmem:v51+s12+$0x0], $0xffff;
	v33 =	vsub.f32 $0.0e+00, v6  }
0xc7: {  	v37 =	vsub.f32 v43, v38;
	v38 =	vmul.f32 v6, v1;
	v31 =	vld.idx.msk [tilespmem:v31+s12+$0x0], $0xffff;
	v34 =	vadd.f32 v9, v34  }
0xc8: {  	v43 =	vsub.f32 v48, v46;
	v39 =	vmul.f32 v15, v15;
	v9 =	vmovc v42;
	v32 =	vld.idx.msk [tilespmem:v32+s12+$0x0], $0xffff;
	v6 =	vmul.f32 $1.442695020e+00, v33  }
0xc9: {  	v15 =	vmul.f32 v26, v26;
	v26 =	vsub.f32 v36, v41;
	v29 =	vld.idx.msk [tilespmem:v29+s12+$0x0], $0xffff;
	v33 =	vadd.f32 v7, v34  }
0xca: {  	v40 =	vmul.f32 v37, v37;
	v23 =	vsub.f32 v23, v47;
	v7 =	vmovc v18;
	v34 =	vld.idx.msk [tilespmem:v16+s12+$0x0], $0xffff;
	(erf) = vpow2.f32 v6  }
0xcb: {  	v1 =	vmovc v2;
	v16 =	vmul.f32 v43, v43;
	v18 =	vsub.f32 v35, v19;
	v19 =	vld.idx.msk [tilespmem:v25+s12+$0x0], $0xffff;
	v6 =	vmax.f32 v33, $1.000000000e-30  }
0xcc: {  	v2 =	vmovc v4;
	v15 =	vadd.f32 v15, v45;
	v33 =	vmul.f32 v26, v26;
	v42 =	vld.idx.msk [tilespmem:v21+s12+$0x0], $0xffff;
	v21 =	vshra.s32 v6, $0x1  }
0xcd: {  	v4 =	vmovc v5;
	v23 =	vmul.f32 v23, v23;
	v25 =	vsub.f32 v30, v31;
	v47 =	vld.idx.msk [tilespmem:v27+s12+$0x0], $0xffff;
	v27 =	vmul.f32 $5.000000000e-01, v6  }
0xce: {  	v5 =	vadd.f32 v16, v15;
	v43 =	vmul.f32 v18, v18;
	v18 =	vsub.s32 $0x5F3759DF, v21;
	v51 =	vld.idx.msk [tilespmem:v24+s12+$0x0], $0xffff  }
0xcf: {  	v15 =	vmul.f32 v25, v25;
	v16 =	vsub.f32 v32, v29;
	v21 =	vld.idx.msk [tilespmem:v52+s12+$0x0], $0xffff;
	v24 =	vmul.f32 v18, v27  }
0xd0: {  	s16 =	sadd.s32 $0x10, s16;
	v25 =	vmov s18;
	v23 =	vadd.f32 v23, v5;
	v20 =	vld.idx.msk [tilespmem:v20+s12+$0x0], $0xffff  }
0xd1: {  	v25 =	vshll.u32 v25, $0x1;
	v48 =	vmul.f32 v16, v16;
	v5 =	vld [tilespmem:s16+$0x0];
	v24 =	vmul.f32 v18, v24  }
0xd2: {  	v3 =	vadd.f32 v38, v3;
	v16 =	vor.u32 v0, v25;
	v25 =	vadd.f32 v28, v23  }
0xd3: {  	v28 =	vor.u32 $0x1, v16;
	v23 =	vor.u32 $0x400, v16;
	v24 =	vsub.f32 $1.500000000e+00, v24;
	v26 =	vpop (erf)  }
0xd4: {  	v29 =	vor.u32 $0x401, v16;
	v52 =	vor.u32 $0x800, v16;
	v17 =	vld.idx.msk [tilespmem:v17+s12+$0x0], $0xffff;
	v3 =	vadd.f32 v26, v3  }
0xd5: {  	v46 =	vor.u32 $0x801, v16;
	v31 =	vor.u32 $0xC00, v16;
	v32 =	vld.idx.msk [tilespmem:v12+s12+$0x0], $0xffff;
	v24 =	vmul.f32 v18, v24  }
0xd6: {  	v38 =	vor.u32 $0x1000, v16;
	v12 =	vor.u32 $0x3000, v16;
	v18 =	vsub.f32 v20, v21;
	v41 =	vld.idx.msk [tilespmem:v14+s12+$0x0], $0xffff  }
0xd7: {  	v44 =	vor.u32 $0x1001, v16;
	v21 =	vor.u32 $0x1400, v16;
	v20 =	vld.idx.msk [tilespmem:v16+s12+$0x0], $0xffff;
	v14 =	vmul.f32 v24, v27  }
0xd8: {  	v50 =	vsub.f32 v34, v19;
	v53 =	vor.u32 $0xC01, v16;
	v49 =	vor.u32 $0x1800, v16;
	v26 =	vld.idx.msk [tilespmem:v23+s12+$0x0], $0xffff  }
0xd9: {  	v45 =	vor.u32 $0x1801, v16;
	v36 =	vor.u32 $0x1C00, v16;
	v30 =	vld.idx.msk [tilespmem:v29+s12+$0x0], $0xffff;
	v19 =	vmul.f32 v14, v24  }
0xda: {  	v54 =	vor.u32 $0x1401, v16;
	v25 =	vadd.f32 v39, v25;
	v14 =	vor.u32 $0x3001, v16;
	v23 =	vld.idx.msk [tilespmem:v31+s12+$0x0], $0xffff  }
0xdb: {  	v35 =	vor.u32 $0x2000, v16;
	v34 =	vor.u32 $0x2001, v16;
	v39 =	vld.idx.msk [tilespmem:v28+s12+$0x0], $0xffff;
	v19 =	vsub.f32 $1.500000000e+00, v19  }
0xdc: {  	v31 =	vor.u32 $0x2401, v16;
	v28 =	vadd.f32 v40, v25;
	v40 =	vsub.f32 v32, v41;
	v37 =	vld.idx.msk [tilespmem:v21+s12+$0x0], $0xffff  }
0xdd: {  	v29 =	vor.u32 $0x2801, v16;
	v32 =	vor.u32 $0x2800, v16;
	v41 =	vld.idx.msk [tilespmem:v38+s12+$0x0], $0xffff;
	v19 =	vmul.f32 v19, v24  }
0xde: {  	v25 =	vor.u32 $0x2C01, v16;
	v21 =	vor.u32 $0x3400, v16;
	v24 =	vadd.f32 v33, v28;
	v38 =	vld.idx.msk [tilespmem:v45+s12+$0x0], $0xffff  }
0xdf: {  	v55 =	vsub.f32 v42, v17;
	v28 =	vmul.f32 v40, v40;
	v45 =	vld.idx.msk [tilespmem:v44+s12+$0x0], $0xffff;
	v27 =	vmul.f32 v19, v27  }
.Ltmp1:
0xe0: {  	v17 =	vor.u32 $0x3401, v16;
	v40 =	vadd.f32 v43, v24;
	v44 =	vld.idx.msk [tilespmem:v54+s12+$0x0], $0xffff;
	v54 =	vmul.f32 v50, v50;
	(pc) =	sbr.rel @p0 .LBB2_4-.Ltmp1, $4  }
0xe1: {  	v50 =	vsub.f32 v20, v39;
	v43 =	vld.idx.msk [tilespmem:v49+s12+$0x0], $0xffff;
	v49 =	vor.u32 $0x1C01, v16;
	v33 =	vmul.f32 v27, v19  }
0xe2: {  	v22 =	vadd.f32 v11, v22;
	v11 =	vmovc v48;
	v24 =	vor.u32 $0x3801, v16;
	v27 =	vor.u32 $0x3800, v16;
	v46 =	vld.idx.msk [tilespmem:v46+s12+$0x0], $0xffff  }
0xe3: {  	v42 =	vsub.f32 v47, v51;
	v20 =	vor.u32 $0x3C00, v16;
	v48 =	vld.idx.msk [tilespmem:v52+s12+$0x0], $0xffff;
	v33 =	vsub.f32 $1.500000000e+00, v33  }
0xe4: {  	v22 =	vadd.f32 v13, v22;
	v51 =	vor.u32 $0x2400, v16;
	v39 =	vmul.f32 v55, v55;
	v13 =	vmovc v54;
	v47 =	vld.idx.msk [tilespmem:v53+s12+$0x0], $0xffff  }
0xe5: {  	_ = 	snop  }
0xe6: {  	v26 =	vsub.f32 v26, v30;
	_ =	sdelay $0x1  }
0xe7: {  	v63 =	vmul.f32 v50, v50;
	v26 =	vmul.f32 v26, v26;
	v46 =	vsub.f32 v48, v46  }
0xe8: {  	v50 =	vld.idx.msk [tilespmem:v36+s12+$0x0], $0xffff  }
0xe9: {  	v53 =	vld.idx.msk [tilespmem:v49+s12+$0x0], $0xffff;
	v23 =	vsub.f32 v23, v47;
	v26 =	vadd.f32 v26, v63;
	v46 =	vmul.f32 v46, v46  }
0xea: {  	v35 =	vld.idx.msk [tilespmem:v35+s12+$0x0], $0xffff  }
0xeb: {  	v52 =	vsub.f32 v41, v45;
	v34 =	vld.idx.msk [tilespmem:v34+s12+$0x0], $0xffff;
	v23 =	vmul.f32 v23, v23;
	v26 =	vadd.f32 v46, v26  }
0xec: {  	v55 =	vld.idx.msk [tilespmem:v51+s12+$0x0], $0xffff  }
0xed: {  	v37 =	vsub.f32 v37, v44;
	v31 =	vld.idx.msk [tilespmem:v31+s12+$0x0], $0xffff;
	v36 =	vmul.f32 v52, v52;
	v23 =	vadd.f32 v23, v26  }
0xee: {  	v54 =	vor.u32 $0x2C00, v16;
	v32 =	vld.idx.msk [tilespmem:v32+s12+$0x0], $0xffff  }
0xef: {  	v29 =	vld.idx.msk [tilespmem:v29+s12+$0x0], $0xffff;
	v38 =	vsub.f32 v43, v38;
	v37 =	vmul.f32 v37, v37;
	v23 =	vadd.f32 v36, v23  }
0xf0: {  	v25 =	vld.idx.msk [tilespmem:v25+s12+$0x0], $0xffff  }
0xf1: {  	v59 =	vld.idx.msk [tilespmem:v12+s12+$0x0], $0xffff;
	v56 =	vmul.f32 v38, v38;
	v30 =	vsub.f32 v50, v53;
	v23 =	vadd.f32 v37, v23  }
0xf2: {  	v15 =	vadd.f32 v15, v40;
	v14 =	vld.idx.msk [tilespmem:v14+s12+$0x0], $0xffff  }
0xf3: {  	v62 =	vld.idx.msk [tilespmem:v21+s12+$0x0], $0xffff;
	v34 =	vsub.f32 v35, v34;
	v30 =	vmul.f32 v30, v30;
	v23 =	vadd.f32 v56, v23  }
0xf4: {  	v58 =	vor.u32 $0x3C01, v16;
	v8 =	vadd.f32 v8, v22;
	v11 =	vadd.f32 v11, v15;
	v57 =	vld.idx.msk [tilespmem:v54+s12+$0x0], $0xffff  }
0xf5: {  	v17 =	vld.idx.msk [tilespmem:v17+s12+$0x0], $0xffff;
	v60 =	vsub.f32 v55, v31;
	v61 =	vmul.f32 v34, v34;
	v23 =	vadd.f32 v30, v23  }
0xf6: {  	v8 =	vadd.f32 v10, v8;
	v11 =	vadd.f32 v13, v11  }
0xf7: {  	v63 =	vsub.f32 v32, v29;
	v12 =	vmul.f32 v60, v60;
	v23 =	vadd.f32 v61, v23  }
0xf8: {  	v27 =	vld.idx.msk [tilespmem:v27+s12+$0x0], $0xffff;
	v8 =	vadd.f32 v9, v8;
	v10 =	vsub.f32 v59, v14  }
0xf9: {  	v16 =	vld.idx.msk [tilespmem:v58+s12+$0x0], $0xffff;
	v21 =	vmul.f32 v63, v63;
	v29 =	vsub.f32 v57, v25;
	v12 =	vadd.f32 v12, v23  }
0xfa: {  	v31 =	vmul.f32 v18, v18;
	v9 =	vsub.f32 v62, v17;
	v11 =	vadd.f32 v28, v11;
	v30 =	vld.idx.msk [tilespmem:v24+s12+$0x0], $0xffff  }
0xfb: {  	v32 =	vld.idx.msk [tilespmem:v20+s12+$0x0], $0xffff;
	v7 =	vadd.f32 v7, v8;
	v15 =	vmul.f32 v29, v29;
	v12 =	vadd.f32 v21, v12  }
0xfc: {  	v34 =	vmul.f32 v42, v42;
	v10 =	vmul.f32 v10, v10;
	v11 =	vadd.f32 v39, v11  }
0xfd: {  	v9 =	vmul.f32 v9, v9;
	v7 =	vmax.f32 v7, $1.000000000e-30;
	v12 =	vadd.f32 v15, v12  }
0xfe: {  	v35 =	vshra.s32 v7, $0x1;
	v11 =	vadd.f32 v34, v11;
	v36 =	vmul.f32 $5.000000000e-01, v7  }
0xff: {  	v37 =	vsub.s32 $0x5F3759DF, v35;
	v8 =	vsub.f32 v27, v30;
	v10 =	vadd.f32 v10, v12  }
0x100: {  	v14 =	vsub.f32 v32, v16;
	v11 =	vadd.f32 v31, v11;
	v38 =	vmul.f32 v37, v36  }
0x101: {  	v8 =	vmul.f32 v8, v8;
	v9 =	vadd.f32 v9, v10  }
0x102: {  	v40 =	vmul.f32 v14, v14;
	v11 =	vmax.f32 v11, $1.000000000e-30;
	v39 =	vmul.f32 v37, v38  }
0x103: {  	v41 =	vshra.s32 v11, $0x1;
	v42 =	vmul.f32 $5.000000000e-01, v11;
	v8 =	vadd.f32 v8, v9  }
0x104: {  	v10 =	vsub.f32 $1.500000000e+00, v39;
	v9 =	vsub.s32 $0x5F3759DF, v41  }
0x105: {  	v43 =	vmul.f32 v9, v42;
	v8 =	vadd.f32 v40, v8  }
0x106: {  	v10 =	vmul.f32 v37, v10  }
0x107: {  	v12 =	vmul.f32 v9, v43;
	v8 =	vmax.f32 v8, $1.000000000e-30  }
0x108: {  	v17 =	vmul.f32 v10, v36;
	v44 =	vshra.s32 v8, $0x1;
	v45 =	vmul.f32 $5.000000000e-01, v8  }
0x109: {  	v12 =	vsub.f32 $1.500000000e+00, v12;
	v14 =	vsub.s32 $0x5F3759DF, v44  }
0x10a: {  	v17 =	vmul.f32 v17, v10;
	v46 =	vmul.f32 v14, v45  }
0x10b: {  	v9 =	vmul.f32 v9, v12  }
0x10c: {  	v17 =	vsub.f32 $1.500000000e+00, v17;
	v47 =	vmul.f32 v14, v46  }
0x10d: {  	v48 =	vmul.f32 v9, v42  }
0x10e: {  	v10 =	vmul.f32 v17, v10;
	v12 =	vsub.f32 $1.500000000e+00, v47  }
0x10f: {  	v49 =	vmul.f32 v48, v9  }
0x110: {  	v50 =	vmul.f32 v10, v36;
	v12 =	vmul.f32 v14, v12  }
0x111: {  	v53 =	vmul.f32 v33, v19;
	v51 =	vsub.f32 $1.500000000e+00, v49  }
0x112: {  	v14 =	vmul.f32 v50, v10;
	v52 =	vmul.f32 v12, v45  }
0x113: {  	v6 =	vmul.f32 v53, v6;
	v9 =	vmul.f32 v51, v9  }
0x114: {  	v14 =	vsub.f32 $1.500000000e+00, v14;
	v54 =	vmul.f32 v52, v12  }
0x115: {  	v55 =	vsub.f32 $0.0e+00, v6;
	v13 =	vmul.f32 v9, v42  }
0x116: {  	v10 =	vmul.f32 v14, v10;
	v15 =	vsub.f32 $1.500000000e+00, v54  }
0x117: {  	v56 =	vmul.f32 $1.442695020e+00, v55;
	v13 =	vmul.f32 v13, v9  }
0x118: {  	v7 =	vmul.f32 v10, v7;
	v12 =	vmul.f32 v15, v12  }
0x119: {  	v57 =	vsub.f32 $1.500000000e+00, v13  }
0x11a: {  	(erf) = vpow2.f32 v56;
	v59 =	vsub.f32 $0.0e+00, v7;
	v58 =	vmul.f32 v12, v45  }
0x11b: {  	v9 =	vmul.f32 v57, v9  }
0x11c: {  	v61 =	vmul.f32 $1.442695020e+00, v59;
	v60 =	vmul.f32 v58, v12  }
0x11d: {  	v9 =	vmul.f32 v9, v11  }
0x11e: {  	(erf) = vpow2.f32 v61;
	v10 =	vsub.f32 $1.500000000e+00, v60  }
0x11f: {  	v11 =	vsub.f32 $0.0e+00, v9  }
0x120: {  	v1 =	vmul.f32 v6, v1;
	v10 =	vmul.f32 v10, v12  }
0x121: {  	v62 =	vmul.f32 $1.442695020e+00, v11  }
0x122: {  	v1 =	vadd.f32 v1, v3;
	v8 =	vmul.f32 v10, v8  }
0x123: {  	v63 =	vpop (erf);
	v2 =	vmul.f32 v7, v2;
	(erf) = vpow2.f32 v62  }
0x124: {  	v1 =	vadd.f32 v63, v1;
	v3 =	vsub.f32 $0.0e+00, v8;
	_ =	sdelay $0x1  }
0x125: {  	v1 =	vadd.f32 v2, v1;
	v3 =	vmul.f32 $1.442695020e+00, v3  }
0x126: {  	v2 =	vpop (erf)  }
0x127: {  	v1 =	vadd.f32 v2, v1;
	v2 =	vmul.f32 v9, v4;
	(erf) = vpow2.f32 v3;
	_ =	sdelay $0x2  }
0x128: {  	v1 =	vadd.f32 v2, v1  }
0x129: {  	v2 =	vpop (erf)  }
0x12a: {  	v1 =	vadd.f32 v2, v1;
	v2 =	vmul.f32 v8, v5;
	_ =	sdelay $0x2  }
0x12b: {  	v1 =	vadd.f32 v2, v1  }
0x12c: {  	v2 =	vpop (erf)  }
0x12d: {  	s15 =	sadd.s32 $0x1, s15;
	v1 =	vadd.f32 v2, v1  }
0x12e: {  	p0 =	sne.s32 s15, s7  }
.Ltmp2:
0x12f: {  	[tilespmem:$0x8600] =	vst v1;
	(pc) =	sbr.rel @p0 .LBB2_1-.Ltmp2, $4  }
0x130: {  	[hbm4b:s6+s2] =	stream.linear.scatter [tilespmem:s14], [sflag:$0x2], $0x80, $0x38;
	[tilespmem:$0x8680] =	vst v63  }
0x131: {  	_ =	swait.ge [sflag:s8], $0x80  }
0x132: {  	[sflag:s8] =	ssyncset.done $0x0  }
0x133: {  	[sflag:s8] =	ssyncadd.s32 $0xFFFFFF80  }
0x134: {  	_ =	sfence.sel $0x180000  }
0x135: {  	[bflag:$0x0] =	sbarrier.arrive $0xFFFF  }
0x136: {  	p0 =	sne.s32 s0, $0x0;
	_ =	strace $0x90000047  }
0x137: {  	s0 =	sadd.s32 @!p0 $0x100000, s1;
	[bflag:$0x2] =	sbarrier.arrive $0xFFFF  }
0x138: {  	[sflag:s0] =	ssyncadd.tile.s32 @!p0 $0x1;
	_ =	shalt  }
.Lfunc_end2:
_tile_overlayer_lowered:
.L_overlay_start_2:
0x139: {  	(tag) =	ssettag $0x2  }
0x13a: {  	s0 =	rddreg [dreg:$0x0];
	s2 =	stileid.u32  }
0x13b: {  	s1 =	rddreg [dreg:$0x1];
	p0 =	sne.s32 s2, $0x0  }
0x13c: {  	s3 =	rddreg [dreg:$0x2];
	[bflag:$0x3] =	sbarrier.arrive $0xFFFF;
	s2 =	simm.s32 @!p0 $0x1C02  }
0x13d: {  	[timem:s3], [sflag:s2] =	dma.local @!p0 [hbm:s0], s1  }
0x13e: {  	s0 =	simm.s32 @!p0 $0x2  }
0x13f: {  	_ =	swait.ge @!p0 [sflag:s0], s1  }
0x140: {  	s1 =	ssub.s32 @!p0 $0x0, s1;
	[sflag:s0] =	ssyncset.done @!p0 $0x0  }
0x141: {  	[sflag:s0] =	ssyncadd.s32 @!p0 s1  }
0x142: {  	[bflag:$0x3] =	sbarrier.arrive $0xFFFF  }
0x143: {  	_ =	shalt  }

</sc_bundles>
